<compile_context>
chip_gen: v7x
topology: tpu7x:2x2x1
jax: 0.10.2.dev20260603
libtpu: 0.0.44.dev20260713+nightly
codegen_flags: <defaults>
</compile_context>

<pallas_src>
import functools

import jax
import jax.numpy as jnp
from jax import lax
from jax.experimental import pallas as pl
from jax.experimental.pallas import tpu as pltpu
from jax.experimental.pallas import tpu_sc as plsc

N = 10000
N_PAD = 10240
F = 128
FH = F // 2
LANES = 16
NC = 2
NS = 16
CH = 128
NBUF = 4
IB = 32
ROWS_PER_SUB = N_PAD // NS


def _sc_propagate(xh, cols2d, rows2d, vals_flat, zeros, chunks_per_t):
    mesh = plsc.VectorSubcoreMesh(core_axis_name="c", subcore_axis_name="s")

    @functools.partial(
        pl.kernel,
        out_type=jax.ShapeDtypeStruct((NC, N_PAD, FH), jnp.float32),
        mesh=mesh,
        scratch_types=[
            pltpu.VMEM_SHARED((N_PAD, FH), jnp.float32),
            pltpu.VMEM_SHARED((N_PAD, FH), jnp.float32),
            pltpu.VMEM((IB, CH), jnp.int32),
            pltpu.VMEM((IB, CH), jnp.int32),
            pltpu.VMEM((IB * CH,), jnp.float32),
            pltpu.VMEM((NBUF, CH, FH), jnp.float32),
            pltpu.SemaphoreType.DMA((NBUF,)),
            pltpu.SemaphoreType.DMA((NBUF,)),
        ],
        compiler_params=pltpu.CompilerParams(use_tc_tiling_on_sc=False),
    )
    def k(xh_hbm, cols_hbm, rows_hbm, vals_hbm, zeros_hbm, out_hbm,
          xs, acc, cols_v, rows_v, vals_v, buf, sem, ssem):
        cid = lax.axis_index("c")
        sid = lax.axis_index("s")

        rsl = pl.ds(sid * ROWS_PER_SUB, ROWS_PER_SUB)
        pltpu.sync_copy(xh_hbm.at[cid, rsl], xs.at[rsl])
        pltpu.sync_copy(zeros_hbm, acc.at[rsl])

        plsc.subcore_barrier()

        base = sid * chunks_per_t

        def block_body(nb, _):
            cbase = base + nb * IB
            pltpu.sync_copy(cols_hbm.at[pl.ds(cbase, IB)], cols_v)
            pltpu.sync_copy(rows_hbm.at[pl.ds(cbase, IB)], rows_v)
            pltpu.sync_copy(vals_hbm.at[pl.ds(cbase * CH, IB * CH)], vals_v)

            for b in range(2):
                pltpu.async_copy(xs.at[cols_v.at[b]], buf.at[b], sem.at[b])

            def chunk_body(c, _):
                p = lax.rem(c, NBUF)
                pltpu.make_async_copy(
                    xs.at[cols_v.at[c]], buf.at[p], sem.at[p]).wait()

                def group_body(g, _):
                    vb16 = vals_v[pl.ds(c * CH + g * LANES, LANES)]
                    for i in range(LANES):
                        e = g * LANES + i
                        for j in range(FH // LANES):
                            sl = pl.ds(j * LANES, LANES)
                            buf[p, e, sl] = buf[p, e, sl] * vb16[i]
                    return 0

                lax.fori_loop(0, CH // LANES, group_body, 0)

                pltpu.async_copy(
                    buf.at[p], acc.at[rows_v.at[c]], ssem.at[p], add=True)

                q = lax.rem(c + 2, NBUF)

                @pl.when((c >= 2) & (c + 2 < IB))
                def _():
                    pltpu.make_async_copy(
                        buf.at[q], acc.at[rows_v.at[c - 2]],
                        ssem.at[q]).wait()
                    pltpu.async_copy(
                        xs.at[cols_v.at[c + 2]], buf.at[q], sem.at[q])

                @pl.when((c < 2) & (c + 2 < IB))
                def _():
                    pltpu.async_copy(
                        xs.at[cols_v.at[c + 2]], buf.at[q], sem.at[q])

                return 0

            lax.fori_loop(0, IB, chunk_body, 0)

            for t in (IB - 4, IB - 3, IB - 2, IB - 1):
                pltpu.make_async_copy(
                    buf.at[t % NBUF], acc.at[rows_v.at[t]],
                    ssem.at[t % NBUF]).wait()
            return 0

        lax.fori_loop(0, chunks_per_t // IB, block_body, 0)

        plsc.subcore_barrier()

        pltpu.sync_copy(acc.at[rsl], out_hbm.at[cid, rsl])

    return k(xh, cols2d, rows2d, vals_flat, zeros)


def _combine_matmul_body(p_ref, w_ref, o_ref):
    o_ref[...] = (
        jnp.dot(p_ref[0], w_ref[pl.ds(0, FH), :],
                preferred_element_type=jnp.float32,
                precision=lax.Precision.HIGHEST)
        + jnp.dot(p_ref[1], w_ref[pl.ds(FH, FH), :],
                  preferred_element_type=jnp.float32,
                  precision=lax.Precision.HIGHEST)
    )


def _combine_matmul(partials, W):
    blk = 1000
    grid = (N // blk,)
    return pl.pallas_call(
        _combine_matmul_body,
        grid=grid,
        in_specs=[
            pl.BlockSpec((NC, blk, FH), lambda i: (0, i, 0)),
            pl.BlockSpec((F, F), lambda i: (0, 0)),
        ],
        out_specs=pl.BlockSpec((blk, F), lambda i: (i, 0)),
        out_shape=jax.ShapeDtypeStruct((N, F), jnp.float32),
    )(partials, W)


def kernel(x, a_rows, a_cols, a_vals, W):
    batch, n, f_in = x.shape
    xf = x.reshape(n, f_in)
    nnz = a_rows.shape[0]

    xh = jnp.pad(xf, ((0, N_PAD - n), (0, 0)))
    xh = xh.reshape(N_PAD, NC, FH).transpose(1, 0, 2)

    span = NS * CH
    chunks_per_t = -(-nnz // span)
    chunks_per_t = -(-chunks_per_t // IB) * IB
    nnz_pad = span * chunks_per_t
    pad = nnz_pad - nnz
    rows_p = jnp.pad(a_rows, (0, pad))
    cols_p = jnp.pad(a_cols, (0, pad))
    vals_p = jnp.pad(a_vals, (0, pad))

    rows2d = rows_p.reshape(NS * chunks_per_t, CH)
    cols2d = cols_p.reshape(NS * chunks_per_t, CH)
    zeros = jnp.zeros((ROWS_PER_SUB, FH), jnp.float32)

    partials = _sc_propagate(xh, cols2d, rows2d, vals_p, zeros, chunks_per_t)
    out = _combine_matmul(partials, W)
    return out.reshape(batch, n, W.shape[1])

# --- scband reference (transcript-rebuilt; emitter-appended) ---
"""Pipeline reference for scband-gcn-17781164606120 (READ-ONLY COPY).

The authoritative reference and input builder live on the scoring server;
editing this copy changes nothing except your own understanding.
"""

import jax, jax.numpy as jnp
import numpy as np

N = 10000          # n_nodes (batch*in_size with batch=1)
F_IN = 128         # input feature dim
F_PRIME = 128      # output feature dim
NNZ = 320000       # nonzeros in A_hat (avg_degree=32)


def setup_inputs(seed: int = 0) -> dict:
    key = jax.random.key(seed)
    k1, k2, k3, k4, k5 = jax.random.split(key, 5)
    # forward input
    x = jax.random.normal(k1, (1, N, F_IN), dtype=jnp.float32)
    # constructor constant: sparse normalized adjacency A_hat in COO form
    a_rows = jax.random.randint(k2, (NNZ,), 0, N, dtype=jnp.int32)
    a_cols = jax.random.randint(k3, (NNZ,), 0, N, dtype=jnp.int32)
    a_vals = jax.random.uniform(k4, (NNZ,), dtype=jnp.float32)
    # learned parameter W: (F_IN, F_PRIME), uniform init like keras 'uniform'
    W = jax.random.uniform(k5, (F_IN, F_PRIME), dtype=jnp.float32, minval=-0.05, maxval=0.05)
    return {"x": x, "a_rows": a_rows, "a_cols": a_cols, "a_vals": a_vals, "W": W}


def reference(x, a_rows, a_cols, a_vals, W):
    # Faithful translation of GCN.call:
    #   x: [batch, in_size, in_weights] -> reshape [-1, in_weights]
    #   hidden = x @ W
    #   hidden = sparse_dense_matmul(A, hidden)   (A in COO: rows, cols, vals)
    #   reshape back to [batch, in_size, out_weights]
    batch, in_size, in_weights = x.shape
    out_weights = W.shape[1]
    xf = x.reshape(-1, in_weights)
    hidden = xf @ W
    # sparse-dense matmul: out[r] += vals * hidden[c]  (gather + scatter-add)
    gathered = a_vals[:, None] * jnp.take(hidden, a_cols, axis=0)
    out = jax.ops.segment_sum(gathered, a_rows, num_segments=batch * in_size)
    return out.reshape(batch, in_size, out_weights)

if __name__ == "__main__":
    import jax
    _d = setup_inputs()
    print(jax.jit(kernel)(*tuple(_d.values())))

</pallas_src>

<mosaic_0001>
#map = affine_map<(d0, d1) -> (0, 0, 0)>
#map1 = affine_map<(d0, d1) -> (0, 0)>
#map2 = affine_map<(d0, d1) -> (0)>
module attributes {stable_mosaic.version = 14 : i64} {
  func.func @k(%arg0: i32, %arg1: i32, %arg2: memref<2x10240x64xf32, #tpu.memory_space<hbm>>, %arg3: memref<2560x128xi32, #tpu.memory_space<hbm>>, %arg4: memref<2560x128xi32, #tpu.memory_space<hbm>>, %arg5: memref<327680xf32, #tpu.memory_space<hbm>>, %arg6: memref<640x64xf32, #tpu.memory_space<hbm>>, %arg7: memref<2x10240x64xf32, #tpu.memory_space<hbm>>, %arg8: memref<10240x64xf32, #tpu.memory_space<vmem_shared>>, %arg9: memref<10240x64xf32, #tpu.memory_space<vmem_shared>>, %arg10: memref<32x128xi32, #tpu.memory_space<vmem>>, %arg11: memref<32x128xi32, #tpu.memory_space<vmem>>, %arg12: memref<4096xf32, #tpu.memory_space<vmem>>, %arg13: memref<4x128x64xf32, #tpu.memory_space<vmem>>, %arg14: memref<4x!tpu.dma_semaphore, #tpu.memory_space<semaphore_mem>>, %arg15: memref<4x!tpu.dma_semaphore, #tpu.memory_space<semaphore_mem>>) attributes {dimension_semantics = [#tpu.dimension_semantics<core_parallel>, #tpu.dimension_semantics<subcore_parallel>], iteration_bounds = array<i64: 2, 16>, scalar_prefetch = 0 : i64, scratch_operands = 8 : i64, tpu.core_type = #tpu.core_type<sc_vector_subcore>, window_params = [{transform_indices = #map}, {transform_indices = #map1}, {transform_indices = #map1}, {transform_indices = #map2}, {transform_indices = #map1}, {transform_indices = #map}]} {
    %mul3A = arith.constant 640 : i32
    %mul3A_0 = arith.muli %arg1, %mul3A : i32
    "tpu.region"() ({
      %run_scoped3A = tpu.sem_alloc : memref<!tpu.dma_semaphore, #tpu.memory_space<semaphore_mem>>
      %dma_start3A = arith.constant 0 : i32
      %dma_start3A_10 = tpu.memref_slice %arg8[%mul3A_0, %dma_start3A] : memref<10240x64xf32, #tpu.memory_space<vmem_shared>> -> memref<640x64xf32, #tpu.memory_space<vmem_shared>>
      %dma_start3A_11 = arith.constant 0 : i32
      %dma_start3A_12 = tpu.memref_slice %arg2[%arg0, %mul3A_0, %dma_start3A_11] : memref<2x10240x64xf32, #tpu.memory_space<hbm>> -> memref<1x640x64xf32, #tpu.memory_space<hbm>>
      %dma_start3A_13 = tpu.memref_squeeze %dma_start3A_12 : memref<1x640x64xf32, #tpu.memory_space<hbm>> -> memref<640x64xf32, #tpu.memory_space<hbm>>
      tpu.enqueue_dma source(%dma_start3A_13 : memref<640x64xf32, #tpu.memory_space<hbm>>) target(%dma_start3A_10 : memref<640x64xf32, #tpu.memory_space<vmem_shared>>) target_semaphore(%run_scoped3A : memref<!tpu.dma_semaphore, #tpu.memory_space<semaphore_mem>>)
      %dma_wait3A = arith.constant 0 : i32
      %dma_wait3A_14 = tpu.memref_slice %arg8[%mul3A_0, %dma_wait3A] : memref<10240x64xf32, #tpu.memory_space<vmem_shared>> -> memref<640x64xf32, #tpu.memory_space<vmem_shared>>
      %dma_wait3A_15 = arith.constant 0 : i32
      %dma_wait3A_16 = tpu.memref_slice %arg2[%arg0, %mul3A_0, %dma_wait3A_15] : memref<2x10240x64xf32, #tpu.memory_space<hbm>> -> memref<1x640x64xf32, #tpu.memory_space<hbm>>
      %dma_wait3A_17 = tpu.memref_squeeze %dma_wait3A_16 : memref<1x640x64xf32, #tpu.memory_space<hbm>> -> memref<640x64xf32, #tpu.memory_space<hbm>>
      tpu.wait_dma2 semaphore(%run_scoped3A : memref<!tpu.dma_semaphore, #tpu.memory_space<semaphore_mem>>) src(%dma_wait3A_17 : memref<640x64xf32, #tpu.memory_space<hbm>>) dst(%dma_wait3A_14 : memref<640x64xf32, #tpu.memory_space<vmem_shared>>)
      tpu.yield
    }) : () -> ()
    "tpu.region"() ({
      %run_scoped3A = tpu.sem_alloc : memref<!tpu.dma_semaphore, #tpu.memory_space<semaphore_mem>>
      %dma_start3A = arith.constant 0 : i32
      %dma_start3A_10 = tpu.memref_slice %arg9[%mul3A_0, %dma_start3A] : memref<10240x64xf32, #tpu.memory_space<vmem_shared>> -> memref<640x64xf32, #tpu.memory_space<vmem_shared>>
      tpu.enqueue_dma source(%arg6 : memref<640x64xf32, #tpu.memory_space<hbm>>) target(%dma_start3A_10 : memref<640x64xf32, #tpu.memory_space<vmem_shared>>) target_semaphore(%run_scoped3A : memref<!tpu.dma_semaphore, #tpu.memory_space<semaphore_mem>>)
      %dma_wait3A = arith.constant 0 : i32
      %dma_wait3A_11 = tpu.memref_slice %arg9[%mul3A_0, %dma_wait3A] : memref<10240x64xf32, #tpu.memory_space<vmem_shared>> -> memref<640x64xf32, #tpu.memory_space<vmem_shared>>
      tpu.wait_dma2 semaphore(%run_scoped3A : memref<!tpu.dma_semaphore, #tpu.memory_space<semaphore_mem>>) src(%arg6 : memref<640x64xf32, #tpu.memory_space<hbm>>) dst(%dma_wait3A_11 : memref<640x64xf32, #tpu.memory_space<vmem_shared>>)
      tpu.yield
    }) : () -> ()
    %barrier3A = arith.constant 0 : index
    tpu.barrier barrier_id(%barrier3A)
    %mul3A_1 = arith.constant 160 : i32
    %mul3A_2 = arith.muli %arg1, %mul3A_1 : i32
    %scan3A = arith.constant 0 : i32
    %scan3A_3 = arith.constant 0 : i32
    %scan3A_4 = arith.constant 5 : i32
    %scan3A_5 = arith.addi %scan3A_3, %scan3A_4 : i32
    %scan3A_6 = arith.constant 1 : i32
    %scan3A_7 = scf.for %scan3A_10 = %scan3A_3 to %scan3A_5 step %scan3A_6 iter_args(%scan3A_11 = %scan3A) -> (i32)  : i32 {
      %mul3A_12 = arith.constant 32 : i32
      %mul3A_13 = arith.muli %scan3A_10, %mul3A_12 : i32
      %add3A = arith.addi %mul3A_2, %mul3A_13 : i32
      "tpu.region"() ({
        %run_scoped3A = tpu.sem_alloc : memref<!tpu.dma_semaphore, #tpu.memory_space<semaphore_mem>>
        %dma_start3A_112 = arith.constant 0 : i32
        %dma_start3A_113 = tpu.memref_slice %arg3[%add3A, %dma_start3A_112] : memref<2560x128xi32, #tpu.memory_space<hbm>> -> memref<32x128xi32, #tpu.memory_space<hbm>>
        %dma_start3A_114 = arith.constant 0 : i32
        %dma_start3A_115 = tpu.memref_slice %arg3[%add3A, %dma_start3A_114] : memref<2560x128xi32, #tpu.memory_space<hbm>> -> memref<32x128xi32, #tpu.memory_space<hbm>>
        tpu.enqueue_dma source(%dma_start3A_115 : memref<32x128xi32, #tpu.memory_space<hbm>>) target(%arg10 : memref<32x128xi32, #tpu.memory_space<vmem>>) target_semaphore(%run_scoped3A : memref<!tpu.dma_semaphore, #tpu.memory_space<semaphore_mem>>)
        %dma_wait3A_116 = arith.constant 0 : i32
        %dma_wait3A_117 = tpu.memref_slice %arg3[%add3A, %dma_wait3A_116] : memref<2560x128xi32, #tpu.memory_space<hbm>> -> memref<32x128xi32, #tpu.memory_space<hbm>>
        %dma_wait3A_118 = arith.constant 0 : i32
        %dma_wait3A_119 = tpu.memref_slice %arg3[%add3A, %dma_wait3A_118] : memref<2560x128xi32, #tpu.memory_space<hbm>> -> memref<32x128xi32, #tpu.memory_space<hbm>>
        tpu.wait_dma2 semaphore(%run_scoped3A : memref<!tpu.dma_semaphore, #tpu.memory_space<semaphore_mem>>) src(%dma_wait3A_119 : memref<32x128xi32, #tpu.memory_space<hbm>>) dst(%arg10 : memref<32x128xi32, #tpu.memory_space<vmem>>)
        tpu.yield
      }) : () -> ()
      "tpu.region"() ({
        %run_scoped3A = tpu.sem_alloc : memref<!tpu.dma_semaphore, #tpu.memory_space<semaphore_mem>>
        %dma_start3A_112 = arith.constant 0 : i32
        %dma_start3A_113 = tpu.memref_slice %arg4[%add3A, %dma_start3A_112] : memref<2560x128xi32, #tpu.memory_space<hbm>> -> memref<32x128xi32, #tpu.memory_space<hbm>>
        %dma_start3A_114 = arith.constant 0 : i32
        %dma_start3A_115 = tpu.memref_slice %arg4[%add3A, %dma_start3A_114] : memref<2560x128xi32, #tpu.memory_space<hbm>> -> memref<32x128xi32, #tpu.memory_space<hbm>>
        tpu.enqueue_dma source(%dma_start3A_115 : memref<32x128xi32, #tpu.memory_space<hbm>>) target(%arg11 : memref<32x128xi32, #tpu.memory_space<vmem>>) target_semaphore(%run_scoped3A : memref<!tpu.dma_semaphore, #tpu.memory_space<semaphore_mem>>)
        %dma_wait3A_116 = arith.constant 0 : i32
        %dma_wait3A_117 = tpu.memref_slice %arg4[%add3A, %dma_wait3A_116] : memref<2560x128xi32, #tpu.memory_space<hbm>> -> memref<32x128xi32, #tpu.memory_space<hbm>>
        %dma_wait3A_118 = arith.constant 0 : i32
        %dma_wait3A_119 = tpu.memref_slice %arg4[%add3A, %dma_wait3A_118] : memref<2560x128xi32, #tpu.memory_space<hbm>> -> memref<32x128xi32, #tpu.memory_space<hbm>>
        tpu.wait_dma2 semaphore(%run_scoped3A : memref<!tpu.dma_semaphore, #tpu.memory_space<semaphore_mem>>) src(%dma_wait3A_119 : memref<32x128xi32, #tpu.memory_space<hbm>>) dst(%arg11 : memref<32x128xi32, #tpu.memory_space<vmem>>)
        tpu.yield
      }) : () -> ()
      %mul3A_14 = arith.constant 128 : i32
      %mul3A_15 = arith.muli %add3A, %mul3A_14 : i32
      "tpu.region"() ({
        %run_scoped3A = tpu.sem_alloc : memref<!tpu.dma_semaphore, #tpu.memory_space<semaphore_mem>>
        %dma_start3A_112 = tpu.memref_slice %arg5[%mul3A_15] : memref<327680xf32, #tpu.memory_space<hbm>> -> memref<4096xf32, #tpu.memory_space<hbm>>
        %dma_start3A_113 = tpu.memref_slice %arg5[%mul3A_15] : memref<327680xf32, #tpu.memory_space<hbm>> -> memref<4096xf32, #tpu.memory_space<hbm>>
        tpu.enqueue_dma source(%dma_start3A_113 : memref<4096xf32, #tpu.memory_space<hbm>>) target(%arg12 : memref<4096xf32, #tpu.memory_space<vmem>>) target_semaphore(%run_scoped3A : memref<!tpu.dma_semaphore, #tpu.memory_space<semaphore_mem>>)
        %dma_wait3A_114 = tpu.memref_slice %arg5[%mul3A_15] : memref<327680xf32, #tpu.memory_space<hbm>> -> memref<4096xf32, #tpu.memory_space<hbm>>
        %dma_wait3A_115 = tpu.memref_slice %arg5[%mul3A_15] : memref<327680xf32, #tpu.memory_space<hbm>> -> memref<4096xf32, #tpu.memory_space<hbm>>
        tpu.wait_dma2 semaphore(%run_scoped3A : memref<!tpu.dma_semaphore, #tpu.memory_space<semaphore_mem>>) src(%dma_wait3A_115 : memref<4096xf32, #tpu.memory_space<hbm>>) dst(%arg12 : memref<4096xf32, #tpu.memory_space<vmem>>)
        tpu.yield
      }) : () -> ()
      %dma_start3A = arith.constant 0 : i32
      %dma_start3A_16 = arith.constant 0 : i32
      %dma_start3A_17 = arith.constant 0 : i32
      %dma_start3A_18 = arith.constant 0 : i32
      %dma_start3A_19 = arith.constant 0 : i32
      %dma_start3A_20 = tpu.memref_slice %arg13[%dma_start3A_16, %dma_start3A_18, %dma_start3A_19] : memref<4x128x64xf32, #tpu.memory_space<vmem>> -> memref<1x128x64xf32, #tpu.memory_space<vmem>>
      %dma_start3A_21 = tpu.memref_squeeze %dma_start3A_20 : memref<1x128x64xf32, #tpu.memory_space<vmem>> -> memref<128x64xf32, #tpu.memory_space<vmem>>
      %dma_start3A_22 = arith.constant 0 : i32
      %dma_start3A_23 = tpu.memref_slice %arg10[%dma_start3A, %dma_start3A_22] : memref<32x128xi32, #tpu.memory_space<vmem>> -> memref<1x128xi32, #tpu.memory_space<vmem>>
      %dma_start3A_24 = tpu.memref_squeeze %dma_start3A_23 : memref<1x128xi32, #tpu.memory_space<vmem>> -> memref<128xi32, #tpu.memory_space<vmem>>
      %dma_start3A_25 = arith.constant 0 : i32
      %dma_start3A_26 = arith.constant 0 : i32
      %dma_start3A_27 = tpu.memref_slice %arg8[%dma_start3A_25, %dma_start3A_26] : memref<10240x64xf32, #tpu.memory_space<vmem_shared>> -> memref<10240x64xf32, #tpu.memory_space<vmem_shared>>
      %dma_start3A_28 = tpu.memref_slice %arg14[%dma_start3A_17] : memref<4x!tpu.dma_semaphore, #tpu.memory_space<semaphore_mem>> -> memref<1x!tpu.dma_semaphore, #tpu.memory_space<semaphore_mem>>
      %dma_start3A_29 = tpu.memref_squeeze %dma_start3A_28 : memref<1x!tpu.dma_semaphore, #tpu.memory_space<semaphore_mem>> -> memref<!tpu.dma_semaphore, #tpu.memory_space<semaphore_mem>>
      tpu.enqueue_indirect_dma source(%dma_start3A_27 : memref<10240x64xf32, #tpu.memory_space<vmem_shared>>) target(%dma_start3A_21 : memref<128x64xf32, #tpu.memory_space<vmem>>) offsets(%dma_start3A_24 : memref<128xi32, #tpu.memory_space<vmem>>) semaphore(%dma_start3A_29 : memref<!tpu.dma_semaphore, #tpu.memory_space<semaphore_mem>>)
      %dma_start3A_30 = arith.constant 1 : i32
      %dma_start3A_31 = arith.constant 1 : i32
      %dma_start3A_32 = arith.constant 1 : i32
      %dma_start3A_33 = arith.constant 0 : i32
      %dma_start3A_34 = arith.constant 0 : i32
      %dma_start3A_35 = tpu.memref_slice %arg13[%dma_start3A_31, %dma_start3A_33, %dma_start3A_34] : memref<4x128x64xf32, #tpu.memory_space<vmem>> -> memref<1x128x64xf32, #tpu.memory_space<vmem>>
      %dma_start3A_36 = tpu.memref_squeeze %dma_start3A_35 : memref<1x128x64xf32, #tpu.memory_space<vmem>> -> memref<128x64xf32, #tpu.memory_space<vmem>>
      %dma_start3A_37 = arith.constant 0 : i32
      %dma_start3A_38 = tpu.memref_slice %arg10[%dma_start3A_30, %dma_start3A_37] : memref<32x128xi32, #tpu.memory_space<vmem>> -> memref<1x128xi32, #tpu.memory_space<vmem>>
      %dma_start3A_39 = tpu.memref_squeeze %dma_start3A_38 : memref<1x128xi32, #tpu.memory_space<vmem>> -> memref<128xi32, #tpu.memory_space<vmem>>
      %dma_start3A_40 = arith.constant 0 : i32
      %dma_start3A_41 = arith.constant 0 : i32
      %dma_start3A_42 = tpu.memref_slice %arg8[%dma_start3A_40, %dma_start3A_41] : memref<10240x64xf32, #tpu.memory_space<vmem_shared>> -> memref<10240x64xf32, #tpu.memory_space<vmem_shared>>
      %dma_start3A_43 = tpu.memref_slice %arg14[%dma_start3A_32] : memref<4x!tpu.dma_semaphore, #tpu.memory_space<semaphore_mem>> -> memref<1x!tpu.dma_semaphore, #tpu.memory_space<semaphore_mem>>
      %dma_start3A_44 = tpu.memref_squeeze %dma_start3A_43 : memref<1x!tpu.dma_semaphore, #tpu.memory_space<semaphore_mem>> -> memref<!tpu.dma_semaphore, #tpu.memory_space<semaphore_mem>>
      tpu.enqueue_indirect_dma source(%dma_start3A_42 : memref<10240x64xf32, #tpu.memory_space<vmem_shared>>) target(%dma_start3A_36 : memref<128x64xf32, #tpu.memory_space<vmem>>) offsets(%dma_start3A_39 : memref<128xi32, #tpu.memory_space<vmem>>) semaphore(%dma_start3A_44 : memref<!tpu.dma_semaphore, #tpu.memory_space<semaphore_mem>>)
      %scan3A_45 = arith.constant 0 : i32
      %scan3A_46 = arith.constant 0 : i32
      %scan3A_47 = arith.constant 32 : i32
      %scan3A_48 = arith.addi %scan3A_46, %scan3A_47 : i32
      %scan3A_49 = arith.constant 1 : i32
      %scan3A_50 = scf.for %scan3A_112 = %scan3A_46 to %scan3A_48 step %scan3A_49 iter_args(%scan3A_113 = %scan3A_45) -> (i32)  : i32 {
        %rem3A = arith.constant 4 : i32
        %rem3A_114 = arith.remsi %scan3A_112, %rem3A : i32
        %dma_wait3A_115 = arith.constant 0 : i32
        %dma_wait3A_116 = arith.constant 0 : i32
        %dma_wait3A_117 = tpu.memref_slice %arg13[%rem3A_114, %dma_wait3A_115, %dma_wait3A_116] : memref<4x128x64xf32, #tpu.memory_space<vmem>> -> memref<1x128x64xf32, #tpu.memory_space<vmem>>
        %dma_wait3A_118 = tpu.memref_squeeze %dma_wait3A_117 : memref<1x128x64xf32, #tpu.memory_space<vmem>> -> memref<128x64xf32, #tpu.memory_space<vmem>>
        %dma_wait3A_119 = arith.constant 0 : i32
        %dma_wait3A_120 = tpu.memref_slice %arg10[%scan3A_112, %dma_wait3A_119] : memref<32x128xi32, #tpu.memory_space<vmem>> -> memref<1x128xi32, #tpu.memory_space<vmem>>
        %dma_wait3A_121 = tpu.memref_squeeze %dma_wait3A_120 : memref<1x128xi32, #tpu.memory_space<vmem>> -> memref<128xi32, #tpu.memory_space<vmem>>
        %dma_wait3A_122 = arith.constant 0 : i32
        %dma_wait3A_123 = arith.constant 0 : i32
        %dma_wait3A_124 = tpu.memref_slice %arg8[%dma_wait3A_122, %dma_wait3A_123] : memref<10240x64xf32, #tpu.memory_space<vmem_shared>> -> memref<10240x64xf32, #tpu.memory_space<vmem_shared>>
        %dma_wait3A_125 = tpu.memref_slice %arg14[%rem3A_114] : memref<4x!tpu.dma_semaphore, #tpu.memory_space<semaphore_mem>> -> memref<1x!tpu.dma_semaphore, #tpu.memory_space<semaphore_mem>>
        %dma_wait3A_126 = tpu.memref_squeeze %dma_wait3A_125 : memref<1x!tpu.dma_semaphore, #tpu.memory_space<semaphore_mem>> -> memref<!tpu.dma_semaphore, #tpu.memory_space<semaphore_mem>>
        tpu.wait_indirect_dma semaphore(%dma_wait3A_126 : memref<!tpu.dma_semaphore, #tpu.memory_space<semaphore_mem>>) src(%dma_wait3A_124 : memref<10240x64xf32, #tpu.memory_space<vmem_shared>>) dst(%dma_wait3A_118 : memref<128x64xf32, #tpu.memory_space<vmem>>)
        %scan3A_127 = arith.constant 0 : i32
        %scan3A_128 = arith.constant 0 : i32
        %scan3A_129 = arith.constant 8 : i32
        %scan3A_130 = arith.addi %scan3A_128, %scan3A_129 : i32
        %scan3A_131 = arith.constant 1 : i32
        %scan3A_132 = scf.for %scan3A_166 = %scan3A_128 to %scan3A_130 step %scan3A_131 iter_args(%scan3A_167 = %scan3A_127) -> (i32)  : i32 {
          %mul3A_168 = arith.constant 128 : i32
          %mul3A_169 = arith.muli %scan3A_112, %mul3A_168 : i32
          %mul3A_170 = arith.constant 16 : i32
          %mul3A_171 = arith.muli %scan3A_166, %mul3A_170 : i32
          %add3A_172 = arith.addi %mul3A_169, %mul3A_171 : i32
          %get3A = arith.index_cast %add3A_172 : i32 to index
          %get3A_173 = tpu.vector_load %arg12[%get3A] {strides = array<i32>} : memref<4096xf32, #tpu.memory_space<vmem>>, vector<16xf32>,
          %get3A_174 = vector.shape_cast %get3A_173 : vector<16xf32> to vector<16xf32>
          %mul3A_175 = arith.constant 16 : i32
          %mul3A_176 = arith.muli %scan3A_166, %mul3A_175 : i32
          %add3A_177 = arith.constant 0 : i32
          %add3A_178 = arith.addi %mul3A_176, %add3A_177 : i32
          %get3A_179 = arith.index_cast %rem3A_114 : i32 to index
          %get3A_180 = arith.index_cast %add3A_178 : i32 to index
          %get3A_181 = arith.constant 0 : index
          %get3A_182 = tpu.vector_load %arg13[%get3A_179, %get3A_180, %get3A_181] {strides = array<i32>} : memref<4x128x64xf32, #tpu.memory_space<vmem>>, vector<1x1x16xf32>,
          %get3A_183 = vector.shape_cast %get3A_182 : vector<1x1x16xf32> to vector<16xf32>
          %slice3A = vector.extract_strided_slice %get3A_174 {offsets = [0], sizes = [1], strides = [1]} : vector<16xf32> to vector<1xf32>
          %squeeze3A = vector.extract %slice3A[0] : f32 from vector<1xf32>
          %mul3A_184 = vector.broadcast %squeeze3A : f32 to vector<16xf32>
          %mul3A_185 = arith.mulf %get3A_183, %mul3A_184 : vector<16xf32>
          %swap3A = arith.index_cast %rem3A_114 : i32 to index
          %swap3A_186 = arith.index_cast %add3A_178 : i32 to index
          %swap3A_187 = arith.constant 0 : index
          %swap3A_188 = tpu.vector_load %arg13[%swap3A, %swap3A_186, %swap3A_187] {strides = array<i32>} : memref<4x128x64xf32, #tpu.memory_space<vmem>>, vector<1x1x16xf32>,
          %swap3A_189 = vector.shape_cast %swap3A_188 : vector<1x1x16xf32> to vector<16xf32>
          %swap3A_190 = vector.shape_cast %mul3A_185 : vector<16xf32> to vector<1x1x16xf32>
          tpu.vector_store %arg13[%swap3A, %swap3A_186, %swap3A_187], %swap3A_190 {strides = array<i32>} : memref<4x128x64xf32, #tpu.memory_space<vmem>>, vector<1x1x16xf32>,
          %get3A_191 = arith.index_cast %rem3A_114 : i32 to index
          %get3A_192 = arith.index_cast %add3A_178 : i32 to index
          %get3A_193 = arith.constant 16 : index
          %get3A_194 = tpu.vector_load %arg13[%get3A_191, %get3A_192, %get3A_193] {strides = array<i32>} : memref<4x128x64xf32, #tpu.memory_space<vmem>>, vector<1x1x16xf32>,
          %get3A_195 = vector.shape_cast %get3A_194 : vector<1x1x16xf32> to vector<16xf32>
          %slice3A_196 = vector.extract_strided_slice %get3A_174 {offsets = [0], sizes = [1], strides = [1]} : vector<16xf32> to vector<1xf32>
          %squeeze3A_197 = vector.extract %slice3A_196[0] : f32 from vector<1xf32>
          %mul3A_198 = vector.broadcast %squeeze3A_197 : f32 to vector<16xf32>
          %mul3A_199 = arith.mulf %get3A_195, %mul3A_198 : vector<16xf32>
          %swap3A_200 = arith.index_cast %rem3A_114 : i32 to index
          %swap3A_201 = arith.index_cast %add3A_178 : i32 to index
          %swap3A_202 = arith.constant 16 : index
          %swap3A_203 = tpu.vector_load %arg13[%swap3A_200, %swap3A_201, %swap3A_202] {strides = array<i32>} : memref<4x128x64xf32, #tpu.memory_space<vmem>>, vector<1x1x16xf32>,
          %swap3A_204 = vector.shape_cast %swap3A_203 : vector<1x1x16xf32> to vector<16xf32>
          %swap3A_205 = vector.shape_cast %mul3A_199 : vector<16xf32> to vector<1x1x16xf32>
          tpu.vector_store %arg13[%swap3A_200, %swap3A_201, %swap3A_202], %swap3A_205 {strides = array<i32>} : memref<4x128x64xf32, #tpu.memory_space<vmem>>, vector<1x1x16xf32>,
          %get3A_206 = arith.index_cast %rem3A_114 : i32 to index
          %get3A_207 = arith.index_cast %add3A_178 : i32 to index
          %get3A_208 = arith.constant 32 : index
          %get3A_209 = tpu.vector_load %arg13[%get3A_206, %get3A_207, %get3A_208] {strides = array<i32>} : memref<4x128x64xf32, #tpu.memory_space<vmem>>, vector<1x1x16xf32>,
          %get3A_210 = vector.shape_cast %get3A_209 : vector<1x1x16xf32> to vector<16xf32>
          %slice3A_211 = vector.extract_strided_slice %get3A_174 {offsets = [0], sizes = [1], strides = [1]} : vector<16xf32> to vector<1xf32>
          %squeeze3A_212 = vector.extract %slice3A_211[0] : f32 from vector<1xf32>
          %mul3A_213 = vector.broadcast %squeeze3A_212 : f32 to vector<16xf32>
          %mul3A_214 = arith.mulf %get3A_210, %mul3A_213 : vector<16xf32>
          %swap3A_215 = arith.index_cast %rem3A_114 : i32 to index
          %swap3A_216 = arith.index_cast %add3A_178 : i32 to index
          %swap3A_217 = arith.constant 32 : index
          %swap3A_218 = tpu.vector_load %arg13[%swap3A_215, %swap3A_216, %swap3A_217] {strides = array<i32>} : memref<4x128x64xf32, #tpu.memory_space<vmem>>, vector<1x1x16xf32>,
          %swap3A_219 = vector.shape_cast %swap3A_218 : vector<1x1x16xf32> to vector<16xf32>
          %swap3A_220 = vector.shape_cast %mul3A_214 : vector<16xf32> to vector<1x1x16xf32>
          tpu.vector_store %arg13[%swap3A_215, %swap3A_216, %swap3A_217], %swap3A_220 {strides = array<i32>} : memref<4x128x64xf32, #tpu.memory_space<vmem>>, vector<1x1x16xf32>,
          %get3A_221 = arith.index_cast %rem3A_114 : i32 to index
          %get3A_222 = arith.index_cast %add3A_178 : i32 to index
          %get3A_223 = arith.constant 48 : index
          %get3A_224 = tpu.vector_load %arg13[%get3A_221, %get3A_222, %get3A_223] {strides = array<i32>} : memref<4x128x64xf32, #tpu.memory_space<vmem>>, vector<1x1x16xf32>,
          %get3A_225 = vector.shape_cast %get3A_224 : vector<1x1x16xf32> to vector<16xf32>
          %slice3A_226 = vector.extract_strided_slice %get3A_174 {offsets = [0], sizes = [1], strides = [1]} : vector<16xf32> to vector<1xf32>
          %squeeze3A_227 = vector.extract %slice3A_226[0] : f32 from vector<1xf32>
          %mul3A_228 = vector.broadcast %squeeze3A_227 : f32 to vector<16xf32>
          %mul3A_229 = arith.mulf %get3A_225, %mul3A_228 : vector<16xf32>
          %swap3A_230 = arith.index_cast %rem3A_114 : i32 to index
          %swap3A_231 = arith.index_cast %add3A_178 : i32 to index
          %swap3A_232 = arith.constant 48 : index
          %swap3A_233 = tpu.vector_load %arg13[%swap3A_230, %swap3A_231, %swap3A_232] {strides = array<i32>} : memref<4x128x64xf32, #tpu.memory_space<vmem>>, vector<1x1x16xf32>,
          %swap3A_234 = vector.shape_cast %swap3A_233 : vector<1x1x16xf32> to vector<16xf32>
          %swap3A_235 = vector.shape_cast %mul3A_229 : vector<16xf32> to vector<1x1x16xf32>
          tpu.vector_store %arg13[%swap3A_230, %swap3A_231, %swap3A_232], %swap3A_235 {strides = array<i32>} : memref<4x128x64xf32, #tpu.memory_space<vmem>>, vector<1x1x16xf32>,
          %mul3A_236 = arith.constant 16 : i32
          %mul3A_237 = arith.muli %scan3A_166, %mul3A_236 : i32
          %add3A_238 = arith.constant 1 : i32
          %add3A_239 = arith.addi %mul3A_237, %add3A_238 : i32
          %get3A_240 = arith.index_cast %rem3A_114 : i32 to index
          %get3A_241 = arith.index_cast %add3A_239 : i32 to index
          %get3A_242 = arith.constant 0 : index
          %get3A_243 = tpu.vector_load %arg13[%get3A_240, %get3A_241, %get3A_242] {strides = array<i32>} : memref<4x128x64xf32, #tpu.memory_space<vmem>>, vector<1x1x16xf32>,
          %get3A_244 = vector.shape_cast %get3A_243 : vector<1x1x16xf32> to vector<16xf32>
          %slice3A_245 = vector.extract_strided_slice %get3A_174 {offsets = [1], sizes = [1], strides = [1]} : vector<16xf32> to vector<1xf32>
          %squeeze3A_246 = vector.extract %slice3A_245[0] : f32 from vector<1xf32>
          %mul3A_247 = vector.broadcast %squeeze3A_246 : f32 to vector<16xf32>
          %mul3A_248 = arith.mulf %get3A_244, %mul3A_247 : vector<16xf32>
          %swap3A_249 = arith.index_cast %rem3A_114 : i32 to index
          %swap3A_250 = arith.index_cast %add3A_239 : i32 to index
          %swap3A_251 = arith.constant 0 : index
          %swap3A_252 = tpu.vector_load %arg13[%swap3A_249, %swap3A_250, %swap3A_251] {strides = array<i32>} : memref<4x128x64xf32, #tpu.memory_space<vmem>>, vector<1x1x16xf32>,
          %swap3A_253 = vector.shape_cast %swap3A_252 : vector<1x1x16xf32> to vector<16xf32>
          %swap3A_254 = vector.shape_cast %mul3A_248 : vector<16xf32> to vector<1x1x16xf32>
          tpu.vector_store %arg13[%swap3A_249, %swap3A_250, %swap3A_251], %swap3A_254 {strides = array<i32>} : memref<4x128x64xf32, #tpu.memory_space<vmem>>, vector<1x1x16xf32>,
          %get3A_255 = arith.index_cast %rem3A_114 : i32 to index
          %get3A_256 = arith.index_cast %add3A_239 : i32 to index
          %get3A_257 = arith.constant 16 : index
          %get3A_258 = tpu.vector_load %arg13[%get3A_255, %get3A_256, %get3A_257] {strides = array<i32>} : memref<4x128x64xf32, #tpu.memory_space<vmem>>, vector<1x1x16xf32>,
          %get3A_259 = vector.shape_cast %get3A_258 : vector<1x1x16xf32> to vector<16xf32>
          %slice3A_260 = vector.extract_strided_slice %get3A_174 {offsets = [1], sizes = [1], strides = [1]} : vector<16xf32> to vector<1xf32>
          %squeeze3A_261 = vector.extract %slice3A_260[0] : f32 from vector<1xf32>
          %mul3A_262 = vector.broadcast %squeeze3A_261 : f32 to vector<16xf32>
          %mul3A_263 = arith.mulf %get3A_259, %mul3A_262 : vector<16xf32>
          %swap3A_264 = arith.index_cast %rem3A_114 : i32 to index
          %swap3A_265 = arith.index_cast %add3A_239 : i32 to index
          %swap3A_266 = arith.constant 16 : index
          %swap3A_267 = tpu.vector_load %arg13[%swap3A_264, %swap3A_265, %swap3A_266] {strides = array<i32>} : memref<4x128x64xf32, #tpu.memory_space<vmem>>, vector<1x1x16xf32>,
          %swap3A_268 = vector.shape_cast %swap3A_267 : vector<1x1x16xf32> to vector<16xf32>
          %swap3A_269 = vector.shape_cast %mul3A_263 : vector<16xf32> to vector<1x1x16xf32>
          tpu.vector_store %arg13[%swap3A_264, %swap3A_265, %swap3A_266], %swap3A_269 {strides = array<i32>} : memref<4x128x64xf32, #tpu.memory_space<vmem>>, vector<1x1x16xf32>,
          %get3A_270 = arith.index_cast %rem3A_114 : i32 to index
          %get3A_271 = arith.index_cast %add3A_239 : i32 to index
          %get3A_272 = arith.constant 32 : index
          %get3A_273 = tpu.vector_load %arg13[%get3A_270, %get3A_271, %get3A_272] {strides = array<i32>} : memref<4x128x64xf32, #tpu.memory_space<vmem>>, vector<1x1x16xf32>,
          %get3A_274 = vector.shape_cast %get3A_273 : vector<1x1x16xf32> to vector<16xf32>
          %slice3A_275 = vector.extract_strided_slice %get3A_174 {offsets = [1], sizes = [1], strides = [1]} : vector<16xf32> to vector<1xf32>
          %squeeze3A_276 = vector.extract %slice3A_275[0] : f32 from vector<1xf32>
          %mul3A_277 = vector.broadcast %squeeze3A_276 : f32 to vector<16xf32>
          %mul3A_278 = arith.mulf %get3A_274, %mul3A_277 : vector<16xf32>
          %swap3A_279 = arith.index_cast %rem3A_114 : i32 to index
          %swap3A_280 = arith.index_cast %add3A_239 : i32 to index
          %swap3A_281 = arith.constant 32 : index
          %swap3A_282 = tpu.vector_load %arg13[%swap3A_279, %swap3A_280, %swap3A_281] {strides = array<i32>} : memref<4x128x64xf32, #tpu.memory_space<vmem>>, vector<1x1x16xf32>,
          %swap3A_283 = vector.shape_cast %swap3A_282 : vector<1x1x16xf32> to vector<16xf32>
          %swap3A_284 = vector.shape_cast %mul3A_278 : vector<16xf32> to vector<1x1x16xf32>
          tpu.vector_store %arg13[%swap3A_279, %swap3A_280, %swap3A_281], %swap3A_284 {strides = array<i32>} : memref<4x128x64xf32, #tpu.memory_space<vmem>>, vector<1x1x16xf32>,
          %get3A_285 = arith.index_cast %rem3A_114 : i32 to index
          %get3A_286 = arith.index_cast %add3A_239 : i32 to index
          %get3A_287 = arith.constant 48 : index
          %get3A_288 = tpu.vector_load %arg13[%get3A_285, %get3A_286, %get3A_287] {strides = array<i32>} : memref<4x128x64xf32, #tpu.memory_space<vmem>>, vector<1x1x16xf32>,
          %get3A_289 = vector.shape_cast %get3A_288 : vector<1x1x16xf32> to vector<16xf32>
          %slice3A_290 = vector.extract_strided_slice %get3A_174 {offsets = [1], sizes = [1], strides = [1]} : vector<16xf32> to vector<1xf32>
          %squeeze3A_291 = vector.extract %slice3A_290[0] : f32 from vector<1xf32>
          %mul3A_292 = vector.broadcast %squeeze3A_291 : f32 to vector<16xf32>
          %mul3A_293 = arith.mulf %get3A_289, %mul3A_292 : vector<16xf32>
          %swap3A_294 = arith.index_cast %rem3A_114 : i32 to index
          %swap3A_295 = arith.index_cast %add3A_239 : i32 to index
          %swap3A_296 = arith.constant 48 : index
          %swap3A_297 = tpu.vector_load %arg13[%swap3A_294, %swap3A_295, %swap3A_296] {strides = array<i32>} : memref<4x128x64xf32, #tpu.memory_space<vmem>>, vector<1x1x16xf32>,
          %swap3A_298 = vector.shape_cast %swap3A_297 : vector<1x1x16xf32> to vector<16xf32>
          %swap3A_299 = vector.shape_cast %mul3A_293 : vector<16xf32> to vector<1x1x16xf32>
          tpu.vector_store %arg13[%swap3A_294, %swap3A_295, %swap3A_296], %swap3A_299 {strides = array<i32>} : memref<4x128x64xf32, #tpu.memory_space<vmem>>, vector<1x1x16xf32>,
          %mul3A_300 = arith.constant 16 : i32
          %mul3A_301 = arith.muli %scan3A_166, %mul3A_300 : i32
          %add3A_302 = arith.constant 2 : i32
          %add3A_303 = arith.addi %mul3A_301, %add3A_302 : i32
          %get3A_304 = arith.index_cast %rem3A_114 : i32 to index
          %get3A_305 = arith.index_cast %add3A_303 : i32 to index
          %get3A_306 = arith.constant 0 : index
          %get3A_307 = tpu.vector_load %arg13[%get3A_304, %get3A_305, %get3A_306] {strides = array<i32>} : memref<4x128x64xf32, #tpu.memory_space<vmem>>, vector<1x1x16xf32>,
          %get3A_308 = vector.shape_cast %get3A_307 : vector<1x1x16xf32> to vector<16xf32>
          %slice3A_309 = vector.extract_strided_slice %get3A_174 {offsets = [2], sizes = [1], strides = [1]} : vector<16xf32> to vector<1xf32>
          %squeeze3A_310 = vector.extract %slice3A_309[0] : f32 from vector<1xf32>
          %mul3A_311 = vector.broadcast %squeeze3A_310 : f32 to vector<16xf32>
          %mul3A_312 = arith.mulf %get3A_308, %mul3A_311 : vector<16xf32>
          %swap3A_313 = arith.index_cast %rem3A_114 : i32 to index
          %swap3A_314 = arith.index_cast %add3A_303 : i32 to index
          %swap3A_315 = arith.constant 0 : index
          %swap3A_316 = tpu.vector_load %arg13[%swap3A_313, %swap3A_314, %swap3A_315] {strides = array<i32>} : memref<4x128x64xf32, #tpu.memory_space<vmem>>, vector<1x1x16xf32>,
          %swap3A_317 = vector.shape_cast %swap3A_316 : vector<1x1x16xf32> to vector<16xf32>
          %swap3A_318 = vector.shape_cast %mul3A_312 : vector<16xf32> to vector<1x1x16xf32>
          tpu.vector_store %arg13[%swap3A_313, %swap3A_314, %swap3A_315], %swap3A_318 {strides = array<i32>} : memref<4x128x64xf32, #tpu.memory_space<vmem>>, vector<1x1x16xf32>,
          %get3A_319 = arith.index_cast %rem3A_114 : i32 to index
          %get3A_320 = arith.index_cast %add3A_303 : i32 to index
          %get3A_321 = arith.constant 16 : index
          %get3A_322 = tpu.vector_load %arg13[%get3A_319, %get3A_320, %get3A_321] {strides = array<i32>} : memref<4x128x64xf32, #tpu.memory_space<vmem>>, vector<1x1x16xf32>,
          %get3A_323 = vector.shape_cast %get3A_322 : vector<1x1x16xf32> to vector<16xf32>
          %slice3A_324 = vector.extract_strided_slice %get3A_174 {offsets = [2], sizes = [1], strides = [1]} : vector<16xf32> to vector<1xf32>
          %squeeze3A_325 = vector.extract %slice3A_324[0] : f32 from vector<1xf32>
          %mul3A_326 = vector.broadcast %squeeze3A_325 : f32 to vector<16xf32>
          %mul3A_327 = arith.mulf %get3A_323, %mul3A_326 : vector<16xf32>
          %swap3A_328 = arith.index_cast %rem3A_114 : i32 to index
          %swap3A_329 = arith.index_cast %add3A_303 : i32 to index
          %swap3A_330 = arith.constant 16 : index
          %swap3A_331 = tpu.vector_load %arg13[%swap3A_328, %swap3A_329, %swap3A_330] {strides = array<i32>} : memref<4x128x64xf32, #tpu.memory_space<vmem>>, vector<1x1x16xf32>,
          %swap3A_332 = vector.shape_cast %swap3A_331 : vector<1x1x16xf32> to vector<16xf32>
          %swap3A_333 = vector.shape_cast %mul3A_327 : vector<16xf32> to vector<1x1x16xf32>
          tpu.vector_store %arg13[%swap3A_328, %swap3A_329, %swap3A_330], %swap3A_333 {strides = array<i32>} : memref<4x128x64xf32, #tpu.memory_space<vmem>>, vector<1x1x16xf32>,
          %get3A_334 = arith.index_cast %rem3A_114 : i32 to index
          %get3A_335 = arith.index_cast %add3A_303 : i32 to index
          %get3A_336 = arith.constant 32 : index
          %get3A_337 = tpu.vector_load %arg13[%get3A_334, %get3A_335, %get3A_336] {strides = array<i32>} : memref<4x128x64xf32, #tpu.memory_space<vmem>>, vector<1x1x16xf32>,
          %get3A_338 = vector.shape_cast %get3A_337 : vector<1x1x16xf32> to vector<16xf32>
          %slice3A_339 = vector.extract_strided_slice %get3A_174 {offsets = [2], sizes = [1], strides = [1]} : vector<16xf32> to vector<1xf32>
          %squeeze3A_340 = vector.extract %slice3A_339[0] : f32 from vector<1xf32>
          %mul3A_341 = vector.broadcast %squeeze3A_340 : f32 to vector<16xf32>
          %mul3A_342 = arith.mulf %get3A_338, %mul3A_341 : vector<16xf32>
          %swap3A_343 = arith.index_cast %rem3A_114 : i32 to index
          %swap3A_344 = arith.index_cast %add3A_303 : i32 to index
          %swap3A_345 = arith.constant 32 : index
          %swap3A_346 = tpu.vector_load %arg13[%swap3A_343, %swap3A_344, %swap3A_345] {strides = array<i32>} : memref<4x128x64xf32, #tpu.memory_space<vmem>>, vector<1x1x16xf32>,
          %swap3A_347 = vector.shape_cast %swap3A_346 : vector<1x1x16xf32> to vector<16xf32>
          %swap3A_348 = vector.shape_cast %mul3A_342 : vector<16xf32> to vector<1x1x16xf32>
          tpu.vector_store %arg13[%swap3A_343, %swap3A_344, %swap3A_345], %swap3A_348 {strides = array<i32>} : memref<4x128x64xf32, #tpu.memory_space<vmem>>, vector<1x1x16xf32>,
          %get3A_349 = arith.index_cast %rem3A_114 : i32 to index
          %get3A_350 = arith.index_cast %add3A_303 : i32 to index
          %get3A_351 = arith.constant 48 : index
          %get3A_352 = tpu.vector_load %arg13[%get3A_349, %get3A_350, %get3A_351] {strides = array<i32>} : memref<4x128x64xf32, #tpu.memory_space<vmem>>, vector<1x1x16xf32>,
          %get3A_353 = vector.shape_cast %get3A_352 : vector<1x1x16xf32> to vector<16xf32>
          %slice3A_354 = vector.extract_strided_slice %get3A_174 {offsets = [2], sizes = [1], strides = [1]} : vector<16xf32> to vector<1xf32>
          %squeeze3A_355 = vector.extract %slice3A_354[0] : f32 from vector<1xf32>
          %mul3A_356 = vector.broadcast %squeeze3A_355 : f32 to vector<16xf32>
          %mul3A_357 = arith.mulf %get3A_353, %mul3A_356 : vector<16xf32>
          %swap3A_358 = arith.index_cast %rem3A_114 : i32 to index
          %swap3A_359 = arith.index_cast %add3A_303 : i32 to index
          %swap3A_360 = arith.constant 48 : index
          %swap3A_361 = tpu.vector_load %arg13[%swap3A_358, %swap3A_359, %swap3A_360] {strides = array<i32>} : memref<4x128x64xf32, #tpu.memory_space<vmem>>, vector<1x1x16xf32>,
          %swap3A_362 = vector.shape_cast %swap3A_361 : vector<1x1x16xf32> to vector<16xf32>
          %swap3A_363 = vector.shape_cast %mul3A_357 : vector<16xf32> to vector<1x1x16xf32>
          tpu.vector_store %arg13[%swap3A_358, %swap3A_359, %swap3A_360], %swap3A_363 {strides = array<i32>} : memref<4x128x64xf32, #tpu.memory_space<vmem>>, vector<1x1x16xf32>,
          %mul3A_364 = arith.constant 16 : i32
          %mul3A_365 = arith.muli %scan3A_166, %mul3A_364 : i32
          %add3A_366 = arith.constant 3 : i32
          %add3A_367 = arith.addi %mul3A_365, %add3A_366 : i32
          %get3A_368 = arith.index_cast %rem3A_114 : i32 to index
          %get3A_369 = arith.index_cast %add3A_367 : i32 to index
          %get3A_370 = arith.constant 0 : index
          %get3A_371 = tpu.vector_load %arg13[%get3A_368, %get3A_369, %get3A_370] {strides = array<i32>} : memref<4x128x64xf32, #tpu.memory_space<vmem>>, vector<1x1x16xf32>,
          %get3A_372 = vector.shape_cast %get3A_371 : vector<1x1x16xf32> to vector<16xf32>
          %slice3A_373 = vector.extract_strided_slice %get3A_174 {offsets = [3], sizes = [1], strides = [1]} : vector<16xf32> to vector<1xf32>
          %squeeze3A_374 = vector.extract %slice3A_373[0] : f32 from vector<1xf32>
          %mul3A_375 = vector.broadcast %squeeze3A_374 : f32 to vector<16xf32>
          %mul3A_376 = arith.mulf %get3A_372, %mul3A_375 : vector<16xf32>
          %swap3A_377 = arith.index_cast %rem3A_114 : i32 to index
          %swap3A_378 = arith.index_cast %add3A_367 : i32 to index
          %swap3A_379 = arith.constant 0 : index
          %swap3A_380 = tpu.vector_load %arg13[%swap3A_377, %swap3A_378, %swap3A_379] {strides = array<i32>} : memref<4x128x64xf32, #tpu.memory_space<vmem>>, vector<1x1x16xf32>,
          %swap3A_381 = vector.shape_cast %swap3A_380 : vector<1x1x16xf32> to vector<16xf32>
          %swap3A_382 = vector.shape_cast %mul3A_376 : vector<16xf32> to vector<1x1x16xf32>
          tpu.vector_store %arg13[%swap3A_377, %swap3A_378, %swap3A_379], %swap3A_382 {strides = array<i32>} : memref<4x128x64xf32, #tpu.memory_space<vmem>>, vector<1x1x16xf32>,
          %get3A_383 = arith.index_cast %rem3A_114 : i32 to index
          %get3A_384 = arith.index_cast %add3A_367 : i32 to index
          %get3A_385 = arith.constant 16 : index
          %get3A_386 = tpu.vector_load %arg13[%get3A_383, %get3A_384, %get3A_385] {strides = array<i32>} : memref<4x128x64xf32, #tpu.memory_space<vmem>>, vector<1x1x16xf32>,
          %get3A_387 = vector.shape_cast %get3A_386 : vector<1x1x16xf32> to vector<16xf32>
          %slice3A_388 = vector.extract_strided_slice %get3A_174 {offsets = [3], sizes = [1], strides = [1]} : vector<16xf32> to vector<1xf32>
          %squeeze3A_389 = vector.extract %slice3A_388[0] : f32 from vector<1xf32>
          %mul3A_390 = vector.broadcast %squeeze3A_389 : f32 to vector<16xf32>
          %mul3A_391 = arith.mulf %get3A_387, %mul3A_390 : vector<16xf32>
          %swap3A_392 = arith.index_cast %rem3A_114 : i32 to index
          %swap3A_393 = arith.index_cast %add3A_367 : i32 to index
          %swap3A_394 = arith.constant 16 : index
          %swap3A_395 = tpu.vector_load %arg13[%swap3A_392, %swap3A_393, %swap3A_394] {strides = array<i32>} : memref<4x128x64xf32, #tpu.memory_space<vmem>>, vector<1x1x16xf32>,
          %swap3A_396 = vector.shape_cast %swap3A_395 : vector<1x1x16xf32> to vector<16xf32>
          %swap3A_397 = vector.shape_cast %mul3A_391 : vector<16xf32> to vector<1x1x16xf32>
          tpu.vector_store %arg13[%swap3A_392, %swap3A_393, %swap3A_394], %swap3A_397 {strides = array<i32>} : memref<4x128x64xf32, #tpu.memory_space<vmem>>, vector<1x1x16xf32>,
          %get3A_398 = arith.index_cast %rem3A_114 : i32 to index
          %get3A_399 = arith.index_cast %add3A_367 : i32 to index
          %get3A_400 = arith.constant 32 : index
          %get3A_401 = tpu.vector_load %arg13[%get3A_398, %get3A_399, %get3A_400] {strides = array<i32>} : memref<4x128x64xf32, #tpu.memory_space<vmem>>, vector<1x1x16xf32>,
          %get3A_402 = vector.shape_cast %get3A_401 : vector<1x1x16xf32> to vector<16xf32>
          %slice3A_403 = vector.extract_strided_slice %get3A_174 {offsets = [3], sizes = [1], strides = [1]} : vector<16xf32> to vector<1xf32>
          %squeeze3A_404 = vector.extract %slice3A_403[0] : f32 from vector<1xf32>
          %mul3A_405 = vector.broadcast %squeeze3A_404 : f32 to vector<16xf32>
          %mul3A_406 = arith.mulf %get3A_402, %mul3A_405 : vector<16xf32>
          %swap3A_407 = arith.index_cast %rem3A_114 : i32 to index
          %swap3A_408 = arith.index_cast %add3A_367 : i32 to index
          %swap3A_409 = arith.constant 32 : index
          %swap3A_410 = tpu.vector_load %arg13[%swap3A_407, %swap3A_408, %swap3A_409] {strides = array<i32>} : memref<4x128x64xf32, #tpu.memory_space<vmem>>, vector<1x1x16xf32>,
          %swap3A_411 = vector.shape_cast %swap3A_410 : vector<1x1x16xf32> to vector<16xf32>
          %swap3A_412 = vector.shape_cast %mul3A_406 : vector<16xf32> to vector<1x1x16xf32>
          tpu.vector_store %arg13[%swap3A_407, %swap3A_408, %swap3A_409], %swap3A_412 {strides = array<i32>} : memref<4x128x64xf32, #tpu.memory_space<vmem>>, vector<1x1x16xf32>,
          %get3A_413 = arith.index_cast %rem3A_114 : i32 to index
          %get3A_414 = arith.index_cast %add3A_367 : i32 to index
          %get3A_415 = arith.constant 48 : index
          %get3A_416 = tpu.vector_load %arg13[%get3A_413, %get3A_414, %get3A_415] {strides = array<i32>} : memref<4x128x64xf32, #tpu.memory_space<vmem>>, vector<1x1x16xf32>,
          %get3A_417 = vector.shape_cast %get3A_416 : vector<1x1x16xf32> to vector<16xf32>
          %slice3A_418 = vector.extract_strided_slice %get3A_174 {offsets = [3], sizes = [1], strides = [1]} : vector<16xf32> to vector<1xf32>
          %squeeze3A_419 = vector.extract %slice3A_418[0] : f32 from vector<1xf32>
          %mul3A_420 = vector.broadcast %squeeze3A_419 : f32 to vector<16xf32>
          %mul3A_421 = arith.mulf %get3A_417, %mul3A_420 : vector<16xf32>
          %swap3A_422 = arith.index_cast %rem3A_114 : i32 to index
          %swap3A_423 = arith.index_cast %add3A_367 : i32 to index
          %swap3A_424 = arith.constant 48 : index
          %swap3A_425 = tpu.vector_load %arg13[%swap3A_422, %swap3A_423, %swap3A_424] {strides = array<i32>} : memref<4x128x64xf32, #tpu.memory_space<vmem>>, vector<1x1x16xf32>,
          %swap3A_426 = vector.shape_cast %swap3A_425 : vector<1x1x16xf32> to vector<16xf32>
          %swap3A_427 = vector.shape_cast %mul3A_421 : vector<16xf32> to vector<1x1x16xf32>
          tpu.vector_store %arg13[%swap3A_422, %swap3A_423, %swap3A_424], %swap3A_427 {strides = array<i32>} : memref<4x128x64xf32, #tpu.memory_space<vmem>>, vector<1x1x16xf32>,
          %mul3A_428 = arith.constant 16 : i32
          %mul3A_429 = arith.muli %scan3A_166, %mul3A_428 : i32
          %add3A_430 = arith.constant 4 : i32
          %add3A_431 = arith.addi %mul3A_429, %add3A_430 : i32
          %get3A_432 = arith.index_cast %rem3A_114 : i32 to index
          %get3A_433 = arith.index_cast %add3A_431 : i32 to index
          %get3A_434 = arith.constant 0 : index
          %get3A_435 = tpu.vector_load %arg13[%get3A_432, %get3A_433, %get3A_434] {strides = array<i32>} : memref<4x128x64xf32, #tpu.memory_space<vmem>>, vector<1x1x16xf32>,
          %get3A_436 = vector.shape_cast %get3A_435 : vector<1x1x16xf32> to vector<16xf32>
          %slice3A_437 = vector.extract_strided_slice %get3A_174 {offsets = [4], sizes = [1], strides = [1]} : vector<16xf32> to vector<1xf32>
          %squeeze3A_438 = vector.extract %slice3A_437[0] : f32 from vector<1xf32>
          %mul3A_439 = vector.broadcast %squeeze3A_438 : f32 to vector<16xf32>
          %mul3A_440 = arith.mulf %get3A_436, %mul3A_439 : vector<16xf32>
          %swap3A_441 = arith.index_cast %rem3A_114 : i32 to index
          %swap3A_442 = arith.index_cast %add3A_431 : i32 to index
          %swap3A_443 = arith.constant 0 : index
          %swap3A_444 = tpu.vector_load %arg13[%swap3A_441, %swap3A_442, %swap3A_443] {strides = array<i32>} : memref<4x128x64xf32, #tpu.memory_space<vmem>>, vector<1x1x16xf32>,
          %swap3A_445 = vector.shape_cast %swap3A_444 : vector<1x1x16xf32> to vector<16xf32>
          %swap3A_446 = vector.shape_cast %mul3A_440 : vector<16xf32> to vector<1x1x16xf32>
          tpu.vector_store %arg13[%swap3A_441, %swap3A_442, %swap3A_443], %swap3A_446 {strides = array<i32>} : memref<4x128x64xf32, #tpu.memory_space<vmem>>, vector<1x1x16xf32>,
          %get3A_447 = arith.index_cast %rem3A_114 : i32 to index
          %get3A_448 = arith.index_cast %add3A_431 : i32 to index
          %get3A_449 = arith.constant 16 : index
          %get3A_450 = tpu.vector_load %arg13[%get3A_447, %get3A_448, %get3A_449] {strides = array<i32>} : memref<4x128x64xf32, #tpu.memory_space<vmem>>, vector<1x1x16xf32>,
          %get3A_451 = vector.shape_cast %get3A_450 : vector<1x1x16xf32> to vector<16xf32>
          %slice3A_452 = vector.extract_strided_slice %get3A_174 {offsets = [4], sizes = [1], strides = [1]} : vector<16xf32> to vector<1xf32>
          %squeeze3A_453 = vector.extract %slice3A_452[0] : f32 from vector<1xf32>
          %mul3A_454 = vector.broadcast %squeeze3A_453 : f32 to vector<16xf32>
          %mul3A_455 = arith.mulf %get3A_451, %mul3A_454 : vector<16xf32>
          %swap3A_456 = arith.index_cast %rem3A_114 : i32 to index
          %swap3A_457 = arith.index_cast %add3A_431 : i32 to index
          %swap3A_458 = arith.constant 16 : index
          %swap3A_459 = tpu.vector_load %arg13[%swap3A_456, %swap3A_457, %swap3A_458] {strides = array<i32>} : memref<4x128x64xf32, #tpu.memory_space<vmem>>, vector<1x1x16xf32>,
          %swap3A_460 = vector.shape_cast %swap3A_459 : vector<1x1x16xf32> to vector<16xf32>
          %swap3A_461 = vector.shape_cast %mul3A_455 : vector<16xf32> to vector<1x1x16xf32>
          tpu.vector_store %arg13[%swap3A_456, %swap3A_457, %swap3A_458], %swap3A_461 {strides = array<i32>} : memref<4x128x64xf32, #tpu.memory_space<vmem>>, vector<1x1x16xf32>,
          %get3A_462 = arith.index_cast %rem3A_114 : i32 to index
          %get3A_463 = arith.index_cast %add3A_431 : i32 to index
          %get3A_464 = arith.constant 32 : index
          %get3A_465 = tpu.vector_load %arg13[%get3A_462, %get3A_463, %get3A_464] {strides = array<i32>} : memref<4x128x64xf32, #tpu.memory_space<vmem>>, vector<1x1x16xf32>,
          %get3A_466 = vector.shape_cast %get3A_465 : vector<1x1x16xf32> to vector<16xf32>
          %slice3A_467 = vector.extract_strided_slice %get3A_174 {offsets = [4], sizes = [1], strides = [1]} : vector<16xf32> to vector<1xf32>
          %squeeze3A_468 = vector.extract %slice3A_467[0] : f32 from vector<1xf32>
          %mul3A_469 = vector.broadcast %squeeze3A_468 : f32 to vector<16xf32>
          %mul3A_470 = arith.mulf %get3A_466, %mul3A_469 : vector<16xf32>
          %swap3A_471 = arith.index_cast %rem3A_114 : i32 to index
          %swap3A_472 = arith.index_cast %add3A_431 : i32 to index
          %swap3A_473 = arith.constant 32 : index
          %swap3A_474 = tpu.vector_load %arg13[%swap3A_471, %swap3A_472, %swap3A_473] {strides = array<i32>} : memref<4x128x64xf32, #tpu.memory_space<vmem>>, vector<1x1x16xf32>,
          %swap3A_475 = vector.shape_cast %swap3A_474 : vector<1x1x16xf32> to vector<16xf32>
          %swap3A_476 = vector.shape_cast %mul3A_470 : vector<16xf32> to vector<1x1x16xf32>
          tpu.vector_store %arg13[%swap3A_471, %swap3A_472, %swap3A_473], %swap3A_476 {strides = array<i32>} : memref<4x128x64xf32, #tpu.memory_space<vmem>>, vector<1x1x16xf32>,
          %get3A_477 = arith.index_cast %rem3A_114 : i32 to index
          %get3A_478 = arith.index_cast %add3A_431 : i32 to index
          %get3A_479 = arith.constant 48 : index
          %get3A_480 = tpu.vector_load %arg13[%get3A_477, %get3A_478, %get3A_479] {strides = array<i32>} : memref<4x128x64xf32, #tpu.memory_space<vmem>>, vector<1x1x16xf32>,
          %get3A_481 = vector.shape_cast %get3A_480 : vector<1x1x16xf32> to vector<16xf32>
          %slice3A_482 = vector.extract_strided_slice %get3A_174 {offsets = [4], sizes = [1], strides = [1]} : vector<16xf32> to vector<1xf32>
          %squeeze3A_483 = vector.extract %slice3A_482[0] : f32 from vector<1xf32>
          %mul3A_484 = vector.broadcast %squeeze3A_483 : f32 to vector<16xf32>
          %mul3A_485 = arith.mulf %get3A_481, %mul3A_484 : vector<16xf32>
          %swap3A_486 = arith.index_cast %rem3A_114 : i32 to index
          %swap3A_487 = arith.index_cast %add3A_431 : i32 to index
          %swap3A_488 = arith.constant 48 : index
          %swap3A_489 = tpu.vector_load %arg13[%swap3A_486, %swap3A_487, %swap3A_488] {strides = array<i32>} : memref<4x128x64xf32, #tpu.memory_space<vmem>>, vector<1x1x16xf32>,
          %swap3A_490 = vector.shape_cast %swap3A_489 : vector<1x1x16xf32> to vector<16xf32>
          %swap3A_491 = vector.shape_cast %mul3A_485 : vector<16xf32> to vector<1x1x16xf32>
          tpu.vector_store %arg13[%swap3A_486, %swap3A_487, %swap3A_488], %swap3A_491 {strides = array<i32>} : memref<4x128x64xf32, #tpu.memory_space<vmem>>, vector<1x1x16xf32>,
          %mul3A_492 = arith.constant 16 : i32
          %mul3A_493 = arith.muli %scan3A_166, %mul3A_492 : i32
          %add3A_494 = arith.constant 5 : i32
          %add3A_495 = arith.addi %mul3A_493, %add3A_494 : i32
          %get3A_496 = arith.index_cast %rem3A_114 : i32 to index
          %get3A_497 = arith.index_cast %add3A_495 : i32 to index
          %get3A_498 = arith.constant 0 : index
          %get3A_499 = tpu.vector_load %arg13[%get3A_496, %get3A_497, %get3A_498] {strides = array<i32>} : memref<4x128x64xf32, #tpu.memory_space<vmem>>, vector<1x1x16xf32>,
          %get3A_500 = vector.shape_cast %get3A_499 : vector<1x1x16xf32> to vector<16xf32>
          %slice3A_501 = vector.extract_strided_slice %get3A_174 {offsets = [5], sizes = [1], strides = [1]} : vector<16xf32> to vector<1xf32>
          %squeeze3A_502 = vector.extract %slice3A_501[0] : f32 from vector<1xf32>
          %mul3A_503 = vector.broadcast %squeeze3A_502 : f32 to vector<16xf32>
          %mul3A_504 = arith.mulf %get3A_500, %mul3A_503 : vector<16xf32>
          %swap3A_505 = arith.index_cast %rem3A_114 : i32 to index
          %swap3A_506 = arith.index_cast %add3A_495 : i32 to index
          %swap3A_507 = arith.constant 0 : index
          %swap3A_508 = tpu.vector_load %arg13[%swap3A_505, %swap3A_506, %swap3A_507] {strides = array<i32>} : memref<4x128x64xf32, #tpu.memory_space<vmem>>, vector<1x1x16xf32>,
          %swap3A_509 = vector.shape_cast %swap3A_508 : vector<1x1x16xf32> to vector<16xf32>
          %swap3A_510 = vector.shape_cast %mul3A_504 : vector<16xf32> to vector<1x1x16xf32>
          tpu.vector_store %arg13[%swap3A_505, %swap3A_506, %swap3A_507], %swap3A_510 {strides = array<i32>} : memref<4x128x64xf32, #tpu.memory_space<vmem>>, vector<1x1x16xf32>,
          %get3A_511 = arith.index_cast %rem3A_114 : i32 to index
          %get3A_512 = arith.index_cast %add3A_495 : i32 to index
          %get3A_513 = arith.constant 16 : index
          %get3A_514 = tpu.vector_load %arg13[%get3A_511, %get3A_512, %get3A_513] {strides = array<i32>} : memref<4x128x64xf32, #tpu.memory_space<vmem>>, vector<1x1x16xf32>,
          %get3A_515 = vector.shape_cast %get3A_514 : vector<1x1x16xf32> to vector<16xf32>
          %slice3A_516 = vector.extract_strided_slice %get3A_174 {offsets = [5], sizes = [1], strides = [1]} : vector<16xf32> to vector<1xf32>
          %squeeze3A_517 = vector.extract %slice3A_516[0] : f32 from vector<1xf32>
          %mul3A_518 = vector.broadcast %squeeze3A_517 : f32 to vector<16xf32>
          %mul3A_519 = arith.mulf %get3A_515, %mul3A_518 : vector<16xf32>
          %swap3A_520 = arith.index_cast %rem3A_114 : i32 to index
          %swap3A_521 = arith.index_cast %add3A_495 : i32 to index
          %swap3A_522 = arith.constant 16 : index
          %swap3A_523 = tpu.vector_load %arg13[%swap3A_520, %swap3A_521, %swap3A_522] {strides = array<i32>} : memref<4x128x64xf32, #tpu.memory_space<vmem>>, vector<1x1x16xf32>,
          %swap3A_524 = vector.shape_cast %swap3A_523 : vector<1x1x16xf32> to vector<16xf32>
          %swap3A_525 = vector.shape_cast %mul3A_519 : vector<16xf32> to vector<1x1x16xf32>
          tpu.vector_store %arg13[%swap3A_520, %swap3A_521, %swap3A_522], %swap3A_525 {strides = array<i32>} : memref<4x128x64xf32, #tpu.memory_space<vmem>>, vector<1x1x16xf32>,
          %get3A_526 = arith.index_cast %rem3A_114 : i32 to index
          %get3A_527 = arith.index_cast %add3A_495 : i32 to index
          %get3A_528 = arith.constant 32 : index
          %get3A_529 = tpu.vector_load %arg13[%get3A_526, %get3A_527, %get3A_528] {strides = array<i32>} : memref<4x128x64xf32, #tpu.memory_space<vmem>>, vector<1x1x16xf32>,
          %get3A_530 = vector.shape_cast %get3A_529 : vector<1x1x16xf32> to vector<16xf32>
          %slice3A_531 = vector.extract_strided_slice %get3A_174 {offsets = [5], sizes = [1], strides = [1]} : vector<16xf32> to vector<1xf32>
          %squeeze3A_532 = vector.extract %slice3A_531[0] : f32 from vector<1xf32>
          %mul3A_533 = vector.broadcast %squeeze3A_532 : f32 to vector<16xf32>
          %mul3A_534 = arith.mulf %get3A_530, %mul3A_533 : vector<16xf32>
          %swap3A_535 = arith.index_cast %rem3A_114 : i32 to index
          %swap3A_536 = arith.index_cast %add3A_495 : i32 to index
          %swap3A_537 = arith.constant 32 : index
          %swap3A_538 = tpu.vector_load %arg13[%swap3A_535, %swap3A_536, %swap3A_537] {strides = array<i32>} : memref<4x128x64xf32, #tpu.memory_space<vmem>>, vector<1x1x16xf32>,
          %swap3A_539 = vector.shape_cast %swap3A_538 : vector<1x1x16xf32> to vector<16xf32>
          %swap3A_540 = vector.shape_cast %mul3A_534 : vector<16xf32> to vector<1x1x16xf32>
          tpu.vector_store %arg13[%swap3A_535, %swap3A_536, %swap3A_537], %swap3A_540 {strides = array<i32>} : memref<4x128x64xf32, #tpu.memory_space<vmem>>, vector<1x1x16xf32>,
          %get3A_541 = arith.index_cast %rem3A_114 : i32 to index
          %get3A_542 = arith.index_cast %add3A_495 : i32 to index
          %get3A_543 = arith.constant 48 : index
          %get3A_544 = tpu.vector_load %arg13[%get3A_541, %get3A_542, %get3A_543] {strides = array<i32>} : memref<4x128x64xf32, #tpu.memory_space<vmem>>, vector<1x1x16xf32>,
          %get3A_545 = vector.shape_cast %get3A_544 : vector<1x1x16xf32> to vector<16xf32>
          %slice3A_546 = vector.extract_strided_slice %get3A_174 {offsets = [5], sizes = [1], strides = [1]} : vector<16xf32> to vector<1xf32>
          %squeeze3A_547 = vector.extract %slice3A_546[0] : f32 from vector<1xf32>
          %mul3A_548 = vector.broadcast %squeeze3A_547 : f32 to vector<16xf32>
          %mul3A_549 = arith.mulf %get3A_545, %mul3A_548 : vector<16xf32>
          %swap3A_550 = arith.index_cast %rem3A_114 : i32 to index
          %swap3A_551 = arith.index_cast %add3A_495 : i32 to index
          %swap3A_552 = arith.constant 48 : index
          %swap3A_553 = tpu.vector_load %arg13[%swap3A_550, %swap3A_551, %swap3A_552] {strides = array<i32>} : memref<4x128x64xf32, #tpu.memory_space<vmem>>, vector<1x1x16xf32>,
          %swap3A_554 = vector.shape_cast %swap3A_553 : vector<1x1x16xf32> to vector<16xf32>
          %swap3A_555 = vector.shape_cast %mul3A_549 : vector<16xf32> to vector<1x1x16xf32>
          tpu.vector_store %arg13[%swap3A_550, %swap3A_551, %swap3A_552], %swap3A_555 {strides = array<i32>} : memref<4x128x64xf32, #tpu.memory_space<vmem>>, vector<1x1x16xf32>,
          %mul3A_556 = arith.constant 16 : i32
          %mul3A_557 = arith.muli %scan3A_166, %mul3A_556 : i32
          %add3A_558 = arith.constant 6 : i32
          %add3A_559 = arith.addi %mul3A_557, %add3A_558 : i32
          %get3A_560 = arith.index_cast %rem3A_114 : i32 to index
          %get3A_561 = arith.index_cast %add3A_559 : i32 to index
          %get3A_562 = arith.constant 0 : index
          %get3A_563 = tpu.vector_load %arg13[%get3A_560, %get3A_561, %get3A_562] {strides = array<i32>} : memref<4x128x64xf32, #tpu.memory_space<vmem>>, vector<1x1x16xf32>,
          %get3A_564 = vector.shape_cast %get3A_563 : vector<1x1x16xf32> to vector<16xf32>
          %slice3A_565 = vector.extract_strided_slice %get3A_174 {offsets = [6], sizes = [1], strides = [1]} : vector<16xf32> to vector<1xf32>
          %squeeze3A_566 = vector.extract %slice3A_565[0] : f32 from vector<1xf32>
          %mul3A_567 = vector.broadcast %squeeze3A_566 : f32 to vector<16xf32>
          %mul3A_568 = arith.mulf %get3A_564, %mul3A_567 : vector<16xf32>
          %swap3A_569 = arith.index_cast %rem3A_114 : i32 to index
          %swap3A_570 = arith.index_cast %add3A_559 : i32 to index
          %swap3A_571 = arith.constant 0 : index
          %swap3A_572 = tpu.vector_load %arg13[%swap3A_569, %swap3A_570, %swap3A_571] {strides = array<i32>} : memref<4x128x64xf32, #tpu.memory_space<vmem>>, vector<1x1x16xf32>,
          %swap3A_573 = vector.shape_cast %swap3A_572 : vector<1x1x16xf32> to vector<16xf32>
          %swap3A_574 = vector.shape_cast %mul3A_568 : vector<16xf32> to vector<1x1x16xf32>
          tpu.vector_store %arg13[%swap3A_569, %swap3A_570, %swap3A_571], %swap3A_574 {strides = array<i32>} : memref<4x128x64xf32, #tpu.memory_space<vmem>>, vector<1x1x16xf32>,
          %get3A_575 = arith.index_cast %rem3A_114 : i32 to index
          %get3A_576 = arith.index_cast %add3A_559 : i32 to index
          %get3A_577 = arith.constant 16 : index
          %get3A_578 = tpu.vector_load %arg13[%get3A_575, %get3A_576, %get3A_577] {strides = array<i32>} : memref<4x128x64xf32, #tpu.memory_space<vmem>>, vector<1x1x16xf32>,
          %get3A_579 = vector.shape_cast %get3A_578 : vector<1x1x16xf32> to vector<16xf32>
          %slice3A_580 = vector.extract_strided_slice %get3A_174 {offsets = [6], sizes = [1], strides = [1]} : vector<16xf32> to vector<1xf32>
          %squeeze3A_581 = vector.extract %slice3A_580[0] : f32 from vector<1xf32>
          %mul3A_582 = vector.broadcast %squeeze3A_581 : f32 to vector<16xf32>
          %mul3A_583 = arith.mulf %get3A_579, %mul3A_582 : vector<16xf32>
          %swap3A_584 = arith.index_cast %rem3A_114 : i32 to index
          %swap3A_585 = arith.index_cast %add3A_559 : i32 to index
          %swap3A_586 = arith.constant 16 : index
          %swap3A_587 = tpu.vector_load %arg13[%swap3A_584, %swap3A_585, %swap3A_586] {strides = array<i32>} : memref<4x128x64xf32, #tpu.memory_space<vmem>>, vector<1x1x16xf32>,
          %swap3A_588 = vector.shape_cast %swap3A_587 : vector<1x1x16xf32> to vector<16xf32>
          %swap3A_589 = vector.shape_cast %mul3A_583 : vector<16xf32> to vector<1x1x16xf32>
          tpu.vector_store %arg13[%swap3A_584, %swap3A_585, %swap3A_586], %swap3A_589 {strides = array<i32>} : memref<4x128x64xf32, #tpu.memory_space<vmem>>, vector<1x1x16xf32>,
          %get3A_590 = arith.index_cast %rem3A_114 : i32 to index
          %get3A_591 = arith.index_cast %add3A_559 : i32 to index
          %get3A_592 = arith.constant 32 : index
          %get3A_593 = tpu.vector_load %arg13[%get3A_590, %get3A_591, %get3A_592] {strides = array<i32>} : memref<4x128x64xf32, #tpu.memory_space<vmem>>, vector<1x1x16xf32>,
          %get3A_594 = vector.shape_cast %get3A_593 : vector<1x1x16xf32> to vector<16xf32>
          %slice3A_595 = vector.extract_strided_slice %get3A_174 {offsets = [6], sizes = [1], strides = [1]} : vector<16xf32> to vector<1xf32>
          %squeeze3A_596 = vector.extract %slice3A_595[0] : f32 from vector<1xf32>
          %mul3A_597 = vector.broadcast %squeeze3A_596 : f32 to vector<16xf32>
          %mul3A_598 = arith.mulf %get3A_594, %mul3A_597 : vector<16xf32>
          %swap3A_599 = arith.index_cast %rem3A_114 : i32 to index
          %swap3A_600 = arith.index_cast %add3A_559 : i32 to index
          %swap3A_601 = arith.constant 32 : index
          %swap3A_602 = tpu.vector_load %arg13[%swap3A_599, %swap3A_600, %swap3A_601] {strides = array<i32>} : memref<4x128x64xf32, #tpu.memory_space<vmem>>, vector<1x1x16xf32>,
          %swap3A_603 = vector.shape_cast %swap3A_602 : vector<1x1x16xf32> to vector<16xf32>
          %swap3A_604 = vector.shape_cast %mul3A_598 : vector<16xf32> to vector<1x1x16xf32>
          tpu.vector_store %arg13[%swap3A_599, %swap3A_600, %swap3A_601], %swap3A_604 {strides = array<i32>} : memref<4x128x64xf32, #tpu.memory_space<vmem>>, vector<1x1x16xf32>,
          %get3A_605 = arith.index_cast %rem3A_114 : i32 to index
          %get3A_606 = arith.index_cast %add3A_559 : i32 to index
          %get3A_607 = arith.constant 48 : index
          %get3A_608 = tpu.vector_load %arg13[%get3A_605, %get3A_606, %get3A_607] {strides = array<i32>} : memref<4x128x64xf32, #tpu.memory_space<vmem>>, vector<1x1x16xf32>,
          %get3A_609 = vector.shape_cast %get3A_608 : vector<1x1x16xf32> to vector<16xf32>
          %slice3A_610 = vector.extract_strided_slice %get3A_174 {offsets = [6], sizes = [1], strides = [1]} : vector<16xf32> to vector<1xf32>
          %squeeze3A_611 = vector.extract %slice3A_610[0] : f32 from vector<1xf32>
          %mul3A_612 = vector.broadcast %squeeze3A_611 : f32 to vector<16xf32>
          %mul3A_613 = arith.mulf %get3A_609, %mul3A_612 : vector<16xf32>
          %swap3A_614 = arith.index_cast %rem3A_114 : i32 to index
          %swap3A_615 = arith.index_cast %add3A_559 : i32 to index
          %swap3A_616 = arith.constant 48 : index
          %swap3A_617 = tpu.vector_load %arg13[%swap3A_614, %swap3A_615, %swap3A_616] {strides = array<i32>} : memref<4x128x64xf32, #tpu.memory_space<vmem>>, vector<1x1x16xf32>,
          %swap3A_618 = vector.shape_cast %swap3A_617 : vector<1x1x16xf32> to vector<16xf32>
          %swap3A_619 = vector.shape_cast %mul3A_613 : vector<16xf32> to vector<1x1x16xf32>
          tpu.vector_store %arg13[%swap3A_614, %swap3A_615, %swap3A_616], %swap3A_619 {strides = array<i32>} : memref<4x128x64xf32, #tpu.memory_space<vmem>>, vector<1x1x16xf32>,
          %mul3A_620 = arith.constant 16 : i32
          %mul3A_621 = arith.muli %scan3A_166, %mul3A_620 : i32
          %add3A_622 = arith.constant 7 : i32
          %add3A_623 = arith.addi %mul3A_621, %add3A_622 : i32
          %get3A_624 = arith.index_cast %rem3A_114 : i32 to index
          %get3A_625 = arith.index_cast %add3A_623 : i32 to index
          %get3A_626 = arith.constant 0 : index
          %get3A_627 = tpu.vector_load %arg13[%get3A_624, %get3A_625, %get3A_626] {strides = array<i32>} : memref<4x128x64xf32, #tpu.memory_space<vmem>>, vector<1x1x16xf32>,
          %get3A_628 = vector.shape_cast %get3A_627 : vector<1x1x16xf32> to vector<16xf32>
          %slice3A_629 = vector.extract_strided_slice %get3A_174 {offsets = [7], sizes = [1], strides = [1]} : vector<16xf32> to vector<1xf32>
          %squeeze3A_630 = vector.extract %slice3A_629[0] : f32 from vector<1xf32>
          %mul3A_631 = vector.broadcast %squeeze3A_630 : f32 to vector<16xf32>
          %mul3A_632 = arith.mulf %get3A_628, %mul3A_631 : vector<16xf32>
          %swap3A_633 = arith.index_cast %rem3A_114 : i32 to index
          %swap3A_634 = arith.index_cast %add3A_623 : i32 to index
          %swap3A_635 = arith.constant 0 : index
          %swap3A_636 = tpu.vector_load %arg13[%swap3A_633, %swap3A_634, %swap3A_635] {strides = array<i32>} : memref<4x128x64xf32, #tpu.memory_space<vmem>>, vector<1x1x16xf32>,
          %swap3A_637 = vector.shape_cast %swap3A_636 : vector<1x1x16xf32> to vector<16xf32>
          %swap3A_638 = vector.shape_cast %mul3A_632 : vector<16xf32> to vector<1x1x16xf32>
          tpu.vector_store %arg13[%swap3A_633, %swap3A_634, %swap3A_635], %swap3A_638 {strides = array<i32>} : memref<4x128x64xf32, #tpu.memory_space<vmem>>, vector<1x1x16xf32>,
          %get3A_639 = arith.index_cast %rem3A_114 : i32 to index
          %get3A_640 = arith.index_cast %add3A_623 : i32 to index
          %get3A_641 = arith.constant 16 : index
          %get3A_642 = tpu.vector_load %arg13[%get3A_639, %get3A_640, %get3A_641] {strides = array<i32>} : memref<4x128x64xf32, #tpu.memory_space<vmem>>, vector<1x1x16xf32>,
          %get3A_643 = vector.shape_cast %get3A_642 : vector<1x1x16xf32> to vector<16xf32>
          %slice3A_644 = vector.extract_strided_slice %get3A_174 {offsets = [7], sizes = [1], strides = [1]} : vector<16xf32> to vector<1xf32>
          %squeeze3A_645 = vector.extract %slice3A_644[0] : f32 from vector<1xf32>
          %mul3A_646 = vector.broadcast %squeeze3A_645 : f32 to vector<16xf32>
          %mul3A_647 = arith.mulf %get3A_643, %mul3A_646 : vector<16xf32>
          %swap3A_648 = arith.index_cast %rem3A_114 : i32 to index
          %swap3A_649 = arith.index_cast %add3A_623 : i32 to index
          %swap3A_650 = arith.constant 16 : index
          %swap3A_651 = tpu.vector_load %arg13[%swap3A_648, %swap3A_649, %swap3A_650] {strides = array<i32>} : memref<4x128x64xf32, #tpu.memory_space<vmem>>, vector<1x1x16xf32>,
          %swap3A_652 = vector.shape_cast %swap3A_651 : vector<1x1x16xf32> to vector<16xf32>
          %swap3A_653 = vector.shape_cast %mul3A_647 : vector<16xf32> to vector<1x1x16xf32>
          tpu.vector_store %arg13[%swap3A_648, %swap3A_649, %swap3A_650], %swap3A_653 {strides = array<i32>} : memref<4x128x64xf32, #tpu.memory_space<vmem>>, vector<1x1x16xf32>,
          %get3A_654 = arith.index_cast %rem3A_114 : i32 to index
          %get3A_655 = arith.index_cast %add3A_623 : i32 to index
          %get3A_656 = arith.constant 32 : index
          %get3A_657 = tpu.vector_load %arg13[%get3A_654, %get3A_655, %get3A_656] {strides = array<i32>} : memref<4x128x64xf32, #tpu.memory_space<vmem>>, vector<1x1x16xf32>,
          %get3A_658 = vector.shape_cast %get3A_657 : vector<1x1x16xf32> to vector<16xf32>
          %slice3A_659 = vector.extract_strided_slice %get3A_174 {offsets = [7], sizes = [1], strides = [1]} : vector<16xf32> to vector<1xf32>
          %squeeze3A_660 = vector.extract %slice3A_659[0] : f32 from vector<1xf32>
          %mul3A_661 = vector.broadcast %squeeze3A_660 : f32 to vector<16xf32>
          %mul3A_662 = arith.mulf %get3A_658, %mul3A_661 : vector<16xf32>
          %swap3A_663 = arith.index_cast %rem3A_114 : i32 to index
          %swap3A_664 = arith.index_cast %add3A_623 : i32 to index
          %swap3A_665 = arith.constant 32 : index
          %swap3A_666 = tpu.vector_load %arg13[%swap3A_663, %swap3A_664, %swap3A_665] {strides = array<i32>} : memref<4x128x64xf32, #tpu.memory_space<vmem>>, vector<1x1x16xf32>,
          %swap3A_667 = vector.shape_cast %swap3A_666 : vector<1x1x16xf32> to vector<16xf32>
          %swap3A_668 = vector.shape_cast %mul3A_662 : vector<16xf32> to vector<1x1x16xf32>
          tpu.vector_store %arg13[%swap3A_663, %swap3A_664, %swap3A_665], %swap3A_668 {strides = array<i32>} : memref<4x128x64xf32, #tpu.memory_space<vmem>>, vector<1x1x16xf32>,
          %get3A_669 = arith.index_cast %rem3A_114 : i32 to index
          %get3A_670 = arith.index_cast %add3A_623 : i32 to index
          %get3A_671 = arith.constant 48 : index
          %get3A_672 = tpu.vector_load %arg13[%get3A_669, %get3A_670, %get3A_671] {strides = array<i32>} : memref<4x128x64xf32, #tpu.memory_space<vmem>>, vector<1x1x16xf32>,
          %get3A_673 = vector.shape_cast %get3A_672 : vector<1x1x16xf32> to vector<16xf32>
          %slice3A_674 = vector.extract_strided_slice %get3A_174 {offsets = [7], sizes = [1], strides = [1]} : vector<16xf32> to vector<1xf32>
          %squeeze3A_675 = vector.extract %slice3A_674[0] : f32 from vector<1xf32>
          %mul3A_676 = vector.broadcast %squeeze3A_675 : f32 to vector<16xf32>
          %mul3A_677 = arith.mulf %get3A_673, %mul3A_676 : vector<16xf32>
          %swap3A_678 = arith.index_cast %rem3A_114 : i32 to index
          %swap3A_679 = arith.index_cast %add3A_623 : i32 to index
          %swap3A_680 = arith.constant 48 : index
          %swap3A_681 = tpu.vector_load %arg13[%swap3A_678, %swap3A_679, %swap3A_680] {strides = array<i32>} : memref<4x128x64xf32, #tpu.memory_space<vmem>>, vector<1x1x16xf32>,
          %swap3A_682 = vector.shape_cast %swap3A_681 : vector<1x1x16xf32> to vector<16xf32>
          %swap3A_683 = vector.shape_cast %mul3A_677 : vector<16xf32> to vector<1x1x16xf32>
          tpu.vector_store %arg13[%swap3A_678, %swap3A_679, %swap3A_680], %swap3A_683 {strides = array<i32>} : memref<4x128x64xf32, #tpu.memory_space<vmem>>, vector<1x1x16xf32>,
          %mul3A_684 = arith.constant 16 : i32
          %mul3A_685 = arith.muli %scan3A_166, %mul3A_684 : i32
          %add3A_686 = arith.constant 8 : i32
          %add3A_687 = arith.addi %mul3A_685, %add3A_686 : i32
          %get3A_688 = arith.index_cast %rem3A_114 : i32 to index
          %get3A_689 = arith.index_cast %add3A_687 : i32 to index
          %get3A_690 = arith.constant 0 : index
          %get3A_691 = tpu.vector_load %arg13[%get3A_688, %get3A_689, %get3A_690] {strides = array<i32>} : memref<4x128x64xf32, #tpu.memory_space<vmem>>, vector<1x1x16xf32>,
          %get3A_692 = vector.shape_cast %get3A_691 : vector<1x1x16xf32> to vector<16xf32>
          %slice3A_693 = vector.extract_strided_slice %get3A_174 {offsets = [8], sizes = [1], strides = [1]} : vector<16xf32> to vector<1xf32>
          %squeeze3A_694 = vector.extract %slice3A_693[0] : f32 from vector<1xf32>
          %mul3A_695 = vector.broadcast %squeeze3A_694 : f32 to vector<16xf32>
          %mul3A_696 = arith.mulf %get3A_692, %mul3A_695 : vector<16xf32>
          %swap3A_697 = arith.index_cast %rem3A_114 : i32 to index
          %swap3A_698 = arith.index_cast %add3A_687 : i32 to index
          %swap3A_699 = arith.constant 0 : index
          %swap3A_700 = tpu.vector_load %arg13[%swap3A_697, %swap3A_698, %swap3A_699] {strides = array<i32>} : memref<4x128x64xf32, #tpu.memory_space<vmem>>, vector<1x1x16xf32>,
          %swap3A_701 = vector.shape_cast %swap3A_700 : vector<1x1x16xf32> to vector<16xf32>
          %swap3A_702 = vector.shape_cast %mul3A_696 : vector<16xf32> to vector<1x1x16xf32>
          tpu.vector_store %arg13[%swap3A_697, %swap3A_698, %swap3A_699], %swap3A_702 {strides = array<i32>} : memref<4x128x64xf32, #tpu.memory_space<vmem>>, vector<1x1x16xf32>,
          %get3A_703 = arith.index_cast %rem3A_114 : i32 to index
          %get3A_704 = arith.index_cast %add3A_687 : i32 to index
          %get3A_705 = arith.constant 16 : index
          %get3A_706 = tpu.vector_load %arg13[%get3A_703, %get3A_704, %get3A_705] {strides = array<i32>} : memref<4x128x64xf32, #tpu.memory_space<vmem>>, vector<1x1x16xf32>,
          %get3A_707 = vector.shape_cast %get3A_706 : vector<1x1x16xf32> to vector<16xf32>
          %slice3A_708 = vector.extract_strided_slice %get3A_174 {offsets = [8], sizes = [1], strides = [1]} : vector<16xf32> to vector<1xf32>
          %squeeze3A_709 = vector.extract %slice3A_708[0] : f32 from vector<1xf32>
          %mul3A_710 = vector.broadcast %squeeze3A_709 : f32 to vector<16xf32>
          %mul3A_711 = arith.mulf %get3A_707, %mul3A_710 : vector<16xf32>
          %swap3A_712 = arith.index_cast %rem3A_114 : i32 to index
          %swap3A_713 = arith.index_cast %add3A_687 : i32 to index
          %swap3A_714 = arith.constant 16 : index
          %swap3A_715 = tpu.vector_load %arg13[%swap3A_712, %swap3A_713, %swap3A_714] {strides = array<i32>} : memref<4x128x64xf32, #tpu.memory_space<vmem>>, vector<1x1x16xf32>,
          %swap3A_716 = vector.shape_cast %swap3A_715 : vector<1x1x16xf32> to vector<16xf32>
          %swap3A_717 = vector.shape_cast %mul3A_711 : vector<16xf32> to vector<1x1x16xf32>
          tpu.vector_store %arg13[%swap3A_712, %swap3A_713, %swap3A_714], %swap3A_717 {strides = array<i32>} : memref<4x128x64xf32, #tpu.memory_space<vmem>>, vector<1x1x16xf32>,
          %get3A_718 = arith.index_cast %rem3A_114 : i32 to index
          %get3A_719 = arith.index_cast %add3A_687 : i32 to index
          %get3A_720 = arith.constant 32 : index
          %get3A_721 = tpu.vector_load %arg13[%get3A_718, %get3A_719, %get3A_720] {strides = array<i32>} : memref<4x128x64xf32, #tpu.memory_space<vmem>>, vector<1x1x16xf32>,
          %get3A_722 = vector.shape_cast %get3A_721 : vector<1x1x16xf32> to vector<16xf32>
          %slice3A_723 = vector.extract_strided_slice %get3A_174 {offsets = [8], sizes = [1], strides = [1]} : vector<16xf32> to vector<1xf32>
          %squeeze3A_724 = vector.extract %slice3A_723[0] : f32 from vector<1xf32>
          %mul3A_725 = vector.broadcast %squeeze3A_724 : f32 to vector<16xf32>
          %mul3A_726 = arith.mulf %get3A_722, %mul3A_725 : vector<16xf32>
          %swap3A_727 = arith.index_cast %rem3A_114 : i32 to index
          %swap3A_728 = arith.index_cast %add3A_687 : i32 to index
          %swap3A_729 = arith.constant 32 : index
          %swap3A_730 = tpu.vector_load %arg13[%swap3A_727, %swap3A_728, %swap3A_729] {strides = array<i32>} : memref<4x128x64xf32, #tpu.memory_space<vmem>>, vector<1x1x16xf32>,
          %swap3A_731 = vector.shape_cast %swap3A_730 : vector<1x1x16xf32> to vector<16xf32>
          %swap3A_732 = vector.shape_cast %mul3A_726 : vector<16xf32> to vector<1x1x16xf32>
          tpu.vector_store %arg13[%swap3A_727, %swap3A_728, %swap3A_729], %swap3A_732 {strides = array<i32>} : memref<4x128x64xf32, #tpu.memory_space<vmem>>, vector<1x1x16xf32>,
          %get3A_733 = arith.index_cast %rem3A_114 : i32 to index
          %get3A_734 = arith.index_cast %add3A_687 : i32 to index
          %get3A_735 = arith.constant 48 : index
          %get3A_736 = tpu.vector_load %arg13[%get3A_733, %get3A_734, %get3A_735] {strides = array<i32>} : memref<4x128x64xf32, #tpu.memory_space<vmem>>, vector<1x1x16xf32>,
          %get3A_737 = vector.shape_cast %get3A_736 : vector<1x1x16xf32> to vector<16xf32>
          %slice3A_738 = vector.extract_strided_slice %get3A_174 {offsets = [8], sizes = [1], strides = [1]} : vector<16xf32> to vector<1xf32>
          %squeeze3A_739 = vector.extract %slice3A_738[0] : f32 from vector<1xf32>
          %mul3A_740 = vector.broadcast %squeeze3A_739 : f32 to vector<16xf32>
          %mul3A_741 = arith.mulf %get3A_737, %mul3A_740 : vector<16xf32>
          %swap3A_742 = arith.index_cast %rem3A_114 : i32 to index
          %swap3A_743 = arith.index_cast %add3A_687 : i32 to index
          %swap3A_744 = arith.constant 48 : index
          %swap3A_745 = tpu.vector_load %arg13[%swap3A_742, %swap3A_743, %swap3A_744] {strides = array<i32>} : memref<4x128x64xf32, #tpu.memory_space<vmem>>, vector<1x1x16xf32>,
          %swap3A_746 = vector.shape_cast %swap3A_745 : vector<1x1x16xf32> to vector<16xf32>
          %swap3A_747 = vector.shape_cast %mul3A_741 : vector<16xf32> to vector<1x1x16xf32>
          tpu.vector_store %arg13[%swap3A_742, %swap3A_743, %swap3A_744], %swap3A_747 {strides = array<i32>} : memref<4x128x64xf32, #tpu.memory_space<vmem>>, vector<1x1x16xf32>,
          %mul3A_748 = arith.constant 16 : i32
          %mul3A_749 = arith.muli %scan3A_166, %mul3A_748 : i32
          %add3A_750 = arith.constant 9 : i32
          %add3A_751 = arith.addi %mul3A_749, %add3A_750 : i32
          %get3A_752 = arith.index_cast %rem3A_114 : i32 to index
          %get3A_753 = arith.index_cast %add3A_751 : i32 to index
          %get3A_754 = arith.constant 0 : index
          %get3A_755 = tpu.vector_load %arg13[%get3A_752, %get3A_753, %get3A_754] {strides = array<i32>} : memref<4x128x64xf32, #tpu.memory_space<vmem>>, vector<1x1x16xf32>,
          %get3A_756 = vector.shape_cast %get3A_755 : vector<1x1x16xf32> to vector<16xf32>
          %slice3A_757 = vector.extract_strided_slice %get3A_174 {offsets = [9], sizes = [1], strides = [1]} : vector<16xf32> to vector<1xf32>
          %squeeze3A_758 = vector.extract %slice3A_757[0] : f32 from vector<1xf32>
          %mul3A_759 = vector.broadcast %squeeze3A_758 : f32 to vector<16xf32>
          %mul3A_760 = arith.mulf %get3A_756, %mul3A_759 : vector<16xf32>
          %swap3A_761 = arith.index_cast %rem3A_114 : i32 to index
          %swap3A_762 = arith.index_cast %add3A_751 : i32 to index
          %swap3A_763 = arith.constant 0 : index
          %swap3A_764 = tpu.vector_load %arg13[%swap3A_761, %swap3A_762, %swap3A_763] {strides = array<i32>} : memref<4x128x64xf32, #tpu.memory_space<vmem>>, vector<1x1x16xf32>,
          %swap3A_765 = vector.shape_cast %swap3A_764 : vector<1x1x16xf32> to vector<16xf32>
          %swap3A_766 = vector.shape_cast %mul3A_760 : vector<16xf32> to vector<1x1x16xf32>
          tpu.vector_store %arg13[%swap3A_761, %swap3A_762, %swap3A_763], %swap3A_766 {strides = array<i32>} : memref<4x128x64xf32, #tpu.memory_space<vmem>>, vector<1x1x16xf32>,
          %get3A_767 = arith.index_cast %rem3A_114 : i32 to index
          %get3A_768 = arith.index_cast %add3A_751 : i32 to index
          %get3A_769 = arith.constant 16 : index
          %get3A_770 = tpu.vector_load %arg13[%get3A_767, %get3A_768, %get3A_769] {strides = array<i32>} : memref<4x128x64xf32, #tpu.memory_space<vmem>>, vector<1x1x16xf32>,
          %get3A_771 = vector.shape_cast %get3A_770 : vector<1x1x16xf32> to vector<16xf32>
          %slice3A_772 = vector.extract_strided_slice %get3A_174 {offsets = [9], sizes = [1], strides = [1]} : vector<16xf32> to vector<1xf32>
          %squeeze3A_773 = vector.extract %slice3A_772[0] : f32 from vector<1xf32>
          %mul3A_774 = vector.broadcast %squeeze3A_773 : f32 to vector<16xf32>
          %mul3A_775 = arith.mulf %get3A_771, %mul3A_774 : vector<16xf32>
          %swap3A_776 = arith.index_cast %rem3A_114 : i32 to index
          %swap3A_777 = arith.index_cast %add3A_751 : i32 to index
          %swap3A_778 = arith.constant 16 : index
          %swap3A_779 = tpu.vector_load %arg13[%swap3A_776, %swap3A_777, %swap3A_778] {strides = array<i32>} : memref<4x128x64xf32, #tpu.memory_space<vmem>>, vector<1x1x16xf32>,
          %swap3A_780 = vector.shape_cast %swap3A_779 : vector<1x1x16xf32> to vector<16xf32>
          %swap3A_781 = vector.shape_cast %mul3A_775 : vector<16xf32> to vector<1x1x16xf32>
          tpu.vector_store %arg13[%swap3A_776, %swap3A_777, %swap3A_778], %swap3A_781 {strides = array<i32>} : memref<4x128x64xf32, #tpu.memory_space<vmem>>, vector<1x1x16xf32>,
          %get3A_782 = arith.index_cast %rem3A_114 : i32 to index
          %get3A_783 = arith.index_cast %add3A_751 : i32 to index
          %get3A_784 = arith.constant 32 : index
          %get3A_785 = tpu.vector_load %arg13[%get3A_782, %get3A_783, %get3A_784] {strides = array<i32>} : memref<4x128x64xf32, #tpu.memory_space<vmem>>, vector<1x1x16xf32>,
          %get3A_786 = vector.shape_cast %get3A_785 : vector<1x1x16xf32> to vector<16xf32>
          %slice3A_787 = vector.extract_strided_slice %get3A_174 {offsets = [9], sizes = [1], strides = [1]} : vector<16xf32> to vector<1xf32>
          %squeeze3A_788 = vector.extract %slice3A_787[0] : f32 from vector<1xf32>
          %mul3A_789 = vector.broadcast %squeeze3A_788 : f32 to vector<16xf32>
          %mul3A_790 = arith.mulf %get3A_786, %mul3A_789 : vector<16xf32>
          %swap3A_791 = arith.index_cast %rem3A_114 : i32 to index
          %swap3A_792 = arith.index_cast %add3A_751 : i32 to index
          %swap3A_793 = arith.constant 32 : index
          %swap3A_794 = tpu.vector_load %arg13[%swap3A_791, %swap3A_792, %swap3A_793] {strides = array<i32>} : memref<4x128x64xf32, #tpu.memory_space<vmem>>, vector<1x1x16xf32>,
          %swap3A_795 = vector.shape_cast %swap3A_794 : vector<1x1x16xf32> to vector<16xf32>
          %swap3A_796 = vector.shape_cast %mul3A_790 : vector<16xf32> to vector<1x1x16xf32>
          tpu.vector_store %arg13[%swap3A_791, %swap3A_792, %swap3A_793], %swap3A_796 {strides = array<i32>} : memref<4x128x64xf32, #tpu.memory_space<vmem>>, vector<1x1x16xf32>,
          %get3A_797 = arith.index_cast %rem3A_114 : i32 to index
          %get3A_798 = arith.index_cast %add3A_751 : i32 to index
          %get3A_799 = arith.constant 48 : index
          %get3A_800 = tpu.vector_load %arg13[%get3A_797, %get3A_798, %get3A_799] {strides = array<i32>} : memref<4x128x64xf32, #tpu.memory_space<vmem>>, vector<1x1x16xf32>,
          %get3A_801 = vector.shape_cast %get3A_800 : vector<1x1x16xf32> to vector<16xf32>
          %slice3A_802 = vector.extract_strided_slice %get3A_174 {offsets = [9], sizes = [1], strides = [1]} : vector<16xf32> to vector<1xf32>
          %squeeze3A_803 = vector.extract %slice3A_802[0] : f32 from vector<1xf32>
          %mul3A_804 = vector.broadcast %squeeze3A_803 : f32 to vector<16xf32>
          %mul3A_805 = arith.mulf %get3A_801, %mul3A_804 : vector<16xf32>
          %swap3A_806 = arith.index_cast %rem3A_114 : i32 to index
          %swap3A_807 = arith.index_cast %add3A_751 : i32 to index
          %swap3A_808 = arith.constant 48 : index
          %swap3A_809 = tpu.vector_load %arg13[%swap3A_806, %swap3A_807, %swap3A_808] {strides = array<i32>} : memref<4x128x64xf32, #tpu.memory_space<vmem>>, vector<1x1x16xf32>,
          %swap3A_810 = vector.shape_cast %swap3A_809 : vector<1x1x16xf32> to vector<16xf32>
          %swap3A_811 = vector.shape_cast %mul3A_805 : vector<16xf32> to vector<1x1x16xf32>
          tpu.vector_store %arg13[%swap3A_806, %swap3A_807, %swap3A_808], %swap3A_811 {strides = array<i32>} : memref<4x128x64xf32, #tpu.memory_space<vmem>>, vector<1x1x16xf32>,
          %mul3A_812 = arith.constant 16 : i32
          %mul3A_813 = arith.muli %scan3A_166, %mul3A_812 : i32
          %add3A_814 = arith.constant 10 : i32
          %add3A_815 = arith.addi %mul3A_813, %add3A_814 : i32
          %get3A_816 = arith.index_cast %rem3A_114 : i32 to index
          %get3A_817 = arith.index_cast %add3A_815 : i32 to index
          %get3A_818 = arith.constant 0 : index
          %get3A_819 = tpu.vector_load %arg13[%get3A_816, %get3A_817, %get3A_818] {strides = array<i32>} : memref<4x128x64xf32, #tpu.memory_space<vmem>>, vector<1x1x16xf32>,
          %get3A_820 = vector.shape_cast %get3A_819 : vector<1x1x16xf32> to vector<16xf32>
          %slice3A_821 = vector.extract_strided_slice %get3A_174 {offsets = [10], sizes = [1], strides = [1]} : vector<16xf32> to vector<1xf32>
          %squeeze3A_822 = vector.extract %slice3A_821[0] : f32 from vector<1xf32>
          %mul3A_823 = vector.broadcast %squeeze3A_822 : f32 to vector<16xf32>
          %mul3A_824 = arith.mulf %get3A_820, %mul3A_823 : vector<16xf32>
          %swap3A_825 = arith.index_cast %rem3A_114 : i32 to index
          %swap3A_826 = arith.index_cast %add3A_815 : i32 to index
          %swap3A_827 = arith.constant 0 : index
          %swap3A_828 = tpu.vector_load %arg13[%swap3A_825, %swap3A_826, %swap3A_827] {strides = array<i32>} : memref<4x128x64xf32, #tpu.memory_space<vmem>>, vector<1x1x16xf32>,
          %swap3A_829 = vector.shape_cast %swap3A_828 : vector<1x1x16xf32> to vector<16xf32>
          %swap3A_830 = vector.shape_cast %mul3A_824 : vector<16xf32> to vector<1x1x16xf32>
          tpu.vector_store %arg13[%swap3A_825, %swap3A_826, %swap3A_827], %swap3A_830 {strides = array<i32>} : memref<4x128x64xf32, #tpu.memory_space<vmem>>, vector<1x1x16xf32>,
          %get3A_831 = arith.index_cast %rem3A_114 : i32 to index
          %get3A_832 = arith.index_cast %add3A_815 : i32 to index
          %get3A_833 = arith.constant 16 : index
          %get3A_834 = tpu.vector_load %arg13[%get3A_831, %get3A_832, %get3A_833] {strides = array<i32>} : memref<4x128x64xf32, #tpu.memory_space<vmem>>, vector<1x1x16xf32>,
          %get3A_835 = vector.shape_cast %get3A_834 : vector<1x1x16xf32> to vector<16xf32>
          %slice3A_836 = vector.extract_strided_slice %get3A_174 {offsets = [10], sizes = [1], strides = [1]} : vector<16xf32> to vector<1xf32>
          %squeeze3A_837 = vector.extract %slice3A_836[0] : f32 from vector<1xf32>
          %mul3A_838 = vector.broadcast %squeeze3A_837 : f32 to vector<16xf32>
          %mul3A_839 = arith.mulf %get3A_835, %mul3A_838 : vector<16xf32>
          %swap3A_840 = arith.index_cast %rem3A_114 : i32 to index
          %swap3A_841 = arith.index_cast %add3A_815 : i32 to index
          %swap3A_842 = arith.constant 16 : index
          %swap3A_843 = tpu.vector_load %arg13[%swap3A_840, %swap3A_841, %swap3A_842] {strides = array<i32>} : memref<4x128x64xf32, #tpu.memory_space<vmem>>, vector<1x1x16xf32>,
          %swap3A_844 = vector.shape_cast %swap3A_843 : vector<1x1x16xf32> to vector<16xf32>
          %swap3A_845 = vector.shape_cast %mul3A_839 : vector<16xf32> to vector<1x1x16xf32>
          tpu.vector_store %arg13[%swap3A_840, %swap3A_841, %swap3A_842], %swap3A_845 {strides = array<i32>} : memref<4x128x64xf32, #tpu.memory_space<vmem>>, vector<1x1x16xf32>,
          %get3A_846 = arith.index_cast %rem3A_114 : i32 to index
          %get3A_847 = arith.index_cast %add3A_815 : i32 to index
          %get3A_848 = arith.constant 32 : index
          %get3A_849 = tpu.vector_load %arg13[%get3A_846, %get3A_847, %get3A_848] {strides = array<i32>} : memref<4x128x64xf32, #tpu.memory_space<vmem>>, vector<1x1x16xf32>,
          %get3A_850 = vector.shape_cast %get3A_849 : vector<1x1x16xf32> to vector<16xf32>
          %slice3A_851 = vector.extract_strided_slice %get3A_174 {offsets = [10], sizes = [1], strides = [1]} : vector<16xf32> to vector<1xf32>
          %squeeze3A_852 = vector.extract %slice3A_851[0] : f32 from vector<1xf32>
          %mul3A_853 = vector.broadcast %squeeze3A_852 : f32 to vector<16xf32>
          %mul3A_854 = arith.mulf %get3A_850, %mul3A_853 : vector<16xf32>
          %swap3A_855 = arith.index_cast %rem3A_114 : i32 to index
          %swap3A_856 = arith.index_cast %add3A_815 : i32 to index
          %swap3A_857 = arith.constant 32 : index
          %swap3A_858 = tpu.vector_load %arg13[%swap3A_855, %swap3A_856, %swap3A_857] {strides = array<i32>} : memref<4x128x64xf32, #tpu.memory_space<vmem>>, vector<1x1x16xf32>,
          %swap3A_859 = vector.shape_cast %swap3A_858 : vector<1x1x16xf32> to vector<16xf32>
          %swap3A_860 = vector.shape_cast %mul3A_854 : vector<16xf32> to vector<1x1x16xf32>
          tpu.vector_store %arg13[%swap3A_855, %swap3A_856, %swap3A_857], %swap3A_860 {strides = array<i32>} : memref<4x128x64xf32, #tpu.memory_space<vmem>>, vector<1x1x16xf32>,
          %get3A_861 = arith.index_cast %rem3A_114 : i32 to index
          %get3A_862 = arith.index_cast %add3A_815 : i32 to index
          %get3A_863 = arith.constant 48 : index
          %get3A_864 = tpu.vector_load %arg13[%get3A_861, %get3A_862, %get3A_863] {strides = array<i32>} : memref<4x128x64xf32, #tpu.memory_space<vmem>>, vector<1x1x16xf32>,
          %get3A_865 = vector.shape_cast %get3A_864 : vector<1x1x16xf32> to vector<16xf32>
          %slice3A_866 = vector.extract_strided_slice %get3A_174 {offsets = [10], sizes = [1], strides = [1]} : vector<16xf32> to vector<1xf32>
          %squeeze3A_867 = vector.extract %slice3A_866[0] : f32 from vector<1xf32>
          %mul3A_868 = vector.broadcast %squeeze3A_867 : f32 to vector<16xf32>
          %mul3A_869 = arith.mulf %get3A_865, %mul3A_868 : vector<16xf32>
          %swap3A_870 = arith.index_cast %rem3A_114 : i32 to index
          %swap3A_871 = arith.index_cast %add3A_815 : i32 to index
          %swap3A_872 = arith.constant 48 : index
          %swap3A_873 = tpu.vector_load %arg13[%swap3A_870, %swap3A_871, %swap3A_872] {strides = array<i32>} : memref<4x128x64xf32, #tpu.memory_space<vmem>>, vector<1x1x16xf32>,
          %swap3A_874 = vector.shape_cast %swap3A_873 : vector<1x1x16xf32> to vector<16xf32>
          %swap3A_875 = vector.shape_cast %mul3A_869 : vector<16xf32> to vector<1x1x16xf32>
          tpu.vector_store %arg13[%swap3A_870, %swap3A_871, %swap3A_872], %swap3A_875 {strides = array<i32>} : memref<4x128x64xf32, #tpu.memory_space<vmem>>, vector<1x1x16xf32>,
          %mul3A_876 = arith.constant 16 : i32
          %mul3A_877 = arith.muli %scan3A_166, %mul3A_876 : i32
          %add3A_878 = arith.constant 11 : i32
          %add3A_879 = arith.addi %mul3A_877, %add3A_878 : i32
          %get3A_880 = arith.index_cast %rem3A_114 : i32 to index
          %get3A_881 = arith.index_cast %add3A_879 : i32 to index
          %get3A_882 = arith.constant 0 : index
          %get3A_883 = tpu.vector_load %arg13[%get3A_880, %get3A_881, %get3A_882] {strides = array<i32>} : memref<4x128x64xf32, #tpu.memory_space<vmem>>, vector<1x1x16xf32>,
          %get3A_884 = vector.shape_cast %get3A_883 : vector<1x1x16xf32> to vector<16xf32>
          %slice3A_885 = vector.extract_strided_slice %get3A_174 {offsets = [11], sizes = [1], strides = [1]} : vector<16xf32> to vector<1xf32>
          %squeeze3A_886 = vector.extract %slice3A_885[0] : f32 from vector<1xf32>
          %mul3A_887 = vector.broadcast %squeeze3A_886 : f32 to vector<16xf32>
          %mul3A_888 = arith.mulf %get3A_884, %mul3A_887 : vector<16xf32>
          %swap3A_889 = arith.index_cast %rem3A_114 : i32 to index
          %swap3A_890 = arith.index_cast %add3A_879 : i32 to index
          %swap3A_891 = arith.constant 0 : index
          %swap3A_892 = tpu.vector_load %arg13[%swap3A_889, %swap3A_890, %swap3A_891] {strides = array<i32>} : memref<4x128x64xf32, #tpu.memory_space<vmem>>, vector<1x1x16xf32>,
          %swap3A_893 = vector.shape_cast %swap3A_892 : vector<1x1x16xf32> to vector<16xf32>
          %swap3A_894 = vector.shape_cast %mul3A_888 : vector<16xf32> to vector<1x1x16xf32>
          tpu.vector_store %arg13[%swap3A_889, %swap3A_890, %swap3A_891], %swap3A_894 {strides = array<i32>} : memref<4x128x64xf32, #tpu.memory_space<vmem>>, vector<1x1x16xf32>,
          %get3A_895 = arith.index_cast %rem3A_114 : i32 to index
          %get3A_896 = arith.index_cast %add3A_879 : i32 to index
          %get3A_897 = arith.constant 16 : index
          %get3A_898 = tpu.vector_load %arg13[%get3A_895, %get3A_896, %get3A_897] {strides = array<i32>} : memref<4x128x64xf32, #tpu.memory_space<vmem>>, vector<1x1x16xf32>,
          %get3A_899 = vector.shape_cast %get3A_898 : vector<1x1x16xf32> to vector<16xf32>
          %slice3A_900 = vector.extract_strided_slice %get3A_174 {offsets = [11], sizes = [1], strides = [1]} : vector<16xf32> to vector<1xf32>
          %squeeze3A_901 = vector.extract %slice3A_900[0] : f32 from vector<1xf32>
          %mul3A_902 = vector.broadcast %squeeze3A_901 : f32 to vector<16xf32>
          %mul3A_903 = arith.mulf %get3A_899, %mul3A_902 : vector<16xf32>
          %swap3A_904 = arith.index_cast %rem3A_114 : i32 to index
          %swap3A_905 = arith.index_cast %add3A_879 : i32 to index
          %swap3A_906 = arith.constant 16 : index
          %swap3A_907 = tpu.vector_load %arg13[%swap3A_904, %swap3A_905, %swap3A_906] {strides = array<i32>} : memref<4x128x64xf32, #tpu.memory_space<vmem>>, vector<1x1x16xf32>,
          %swap3A_908 = vector.shape_cast %swap3A_907 : vector<1x1x16xf32> to vector<16xf32>
          %swap3A_909 = vector.shape_cast %mul3A_903 : vector<16xf32> to vector<1x1x16xf32>
          tpu.vector_store %arg13[%swap3A_904, %swap3A_905, %swap3A_906], %swap3A_909 {strides = array<i32>} : memref<4x128x64xf32, #tpu.memory_space<vmem>>, vector<1x1x16xf32>,
          %get3A_910 = arith.index_cast %rem3A_114 : i32 to index
          %get3A_911 = arith.index_cast %add3A_879 : i32 to index
          %get3A_912 = arith.constant 32 : index
          %get3A_913 = tpu.vector_load %arg13[%get3A_910, %get3A_911, %get3A_912] {strides = array<i32>} : memref<4x128x64xf32, #tpu.memory_space<vmem>>, vector<1x1x16xf32>,
          %get3A_914 = vector.shape_cast %get3A_913 : vector<1x1x16xf32> to vector<16xf32>
          %slice3A_915 = vector.extract_strided_slice %get3A_174 {offsets = [11], sizes = [1], strides = [1]} : vector<16xf32> to vector<1xf32>
          %squeeze3A_916 = vector.extract %slice3A_915[0] : f32 from vector<1xf32>
          %mul3A_917 = vector.broadcast %squeeze3A_916 : f32 to vector<16xf32>
          %mul3A_918 = arith.mulf %get3A_914, %mul3A_917 : vector<16xf32>
          %swap3A_919 = arith.index_cast %rem3A_114 : i32 to index
          %swap3A_920 = arith.index_cast %add3A_879 : i32 to index
          %swap3A_921 = arith.constant 32 : index
          %swap3A_922 = tpu.vector_load %arg13[%swap3A_919, %swap3A_920, %swap3A_921] {strides = array<i32>} : memref<4x128x64xf32, #tpu.memory_space<vmem>>, vector<1x1x16xf32>,
          %swap3A_923 = vector.shape_cast %swap3A_922 : vector<1x1x16xf32> to vector<16xf32>
          %swap3A_924 = vector.shape_cast %mul3A_918 : vector<16xf32> to vector<1x1x16xf32>
          tpu.vector_store %arg13[%swap3A_919, %swap3A_920, %swap3A_921], %swap3A_924 {strides = array<i32>} : memref<4x128x64xf32, #tpu.memory_space<vmem>>, vector<1x1x16xf32>,
          %get3A_925 = arith.index_cast %rem3A_114 : i32 to index
          %get3A_926 = arith.index_cast %add3A_879 : i32 to index
          %get3A_927 = arith.constant 48 : index
          %get3A_928 = tpu.vector_load %arg13[%get3A_925, %get3A_926, %get3A_927] {strides = array<i32>} : memref<4x128x64xf32, #tpu.memory_space<vmem>>, vector<1x1x16xf32>,
          %get3A_929 = vector.shape_cast %get3A_928 : vector<1x1x16xf32> to vector<16xf32>
          %slice3A_930 = vector.extract_strided_slice %get3A_174 {offsets = [11], sizes = [1], strides = [1]} : vector<16xf32> to vector<1xf32>
          %squeeze3A_931 = vector.extract %slice3A_930[0] : f32 from vector<1xf32>
          %mul3A_932 = vector.broadcast %squeeze3A_931 : f32 to vector<16xf32>
          %mul3A_933 = arith.mulf %get3A_929, %mul3A_932 : vector<16xf32>
          %swap3A_934 = arith.index_cast %rem3A_114 : i32 to index
          %swap3A_935 = arith.index_cast %add3A_879 : i32 to index
          %swap3A_936 = arith.constant 48 : index
          %swap3A_937 = tpu.vector_load %arg13[%swap3A_934, %swap3A_935, %swap3A_936] {strides = array<i32>} : memref<4x128x64xf32, #tpu.memory_space<vmem>>, vector<1x1x16xf32>,
          %swap3A_938 = vector.shape_cast %swap3A_937 : vector<1x1x16xf32> to vector<16xf32>
          %swap3A_939 = vector.shape_cast %mul3A_933 : vector<16xf32> to vector<1x1x16xf32>
          tpu.vector_store %arg13[%swap3A_934, %swap3A_935, %swap3A_936], %swap3A_939 {strides = array<i32>} : memref<4x128x64xf32, #tpu.memory_space<vmem>>, vector<1x1x16xf32>,
          %mul3A_940 = arith.constant 16 : i32
          %mul3A_941 = arith.muli %scan3A_166, %mul3A_940 : i32
          %add3A_942 = arith.constant 12 : i32
          %add3A_943 = arith.addi %mul3A_941, %add3A_942 : i32
          %get3A_944 = arith.index_cast %rem3A_114 : i32 to index
          %get3A_945 = arith.index_cast %add3A_943 : i32 to index
          %get3A_946 = arith.constant 0 : index
          %get3A_947 = tpu.vector_load %arg13[%get3A_944, %get3A_945, %get3A_946] {strides = array<i32>} : memref<4x128x64xf32, #tpu.memory_space<vmem>>, vector<1x1x16xf32>,
          %get3A_948 = vector.shape_cast %get3A_947 : vector<1x1x16xf32> to vector<16xf32>
          %slice3A_949 = vector.extract_strided_slice %get3A_174 {offsets = [12], sizes = [1], strides = [1]} : vector<16xf32> to vector<1xf32>
          %squeeze3A_950 = vector.extract %slice3A_949[0] : f32 from vector<1xf32>
          %mul3A_951 = vector.broadcast %squeeze3A_950 : f32 to vector<16xf32>
          %mul3A_952 = arith.mulf %get3A_948, %mul3A_951 : vector<16xf32>
          %swap3A_953 = arith.index_cast %rem3A_114 : i32 to index
          %swap3A_954 = arith.index_cast %add3A_943 : i32 to index
          %swap3A_955 = arith.constant 0 : index
          %swap3A_956 = tpu.vector_load %arg13[%swap3A_953, %swap3A_954, %swap3A_955] {strides = array<i32>} : memref<4x128x64xf32, #tpu.memory_space<vmem>>, vector<1x1x16xf32>,
          %swap3A_957 = vector.shape_cast %swap3A_956 : vector<1x1x16xf32> to vector<16xf32>
          %swap3A_958 = vector.shape_cast %mul3A_952 : vector<16xf32> to vector<1x1x16xf32>
          tpu.vector_store %arg13[%swap3A_953, %swap3A_954, %swap3A_955], %swap3A_958 {strides = array<i32>} : memref<4x128x64xf32, #tpu.memory_space<vmem>>, vector<1x1x16xf32>,
          %get3A_959 = arith.index_cast %rem3A_114 : i32 to index
          %get3A_960 = arith.index_cast %add3A_943 : i32 to index
          %get3A_961 = arith.constant 16 : index
          %get3A_962 = tpu.vector_load %arg13[%get3A_959, %get3A_960, %get3A_961] {strides = array<i32>} : memref<4x128x64xf32, #tpu.memory_space<vmem>>, vector<1x1x16xf32>,
          %get3A_963 = vector.shape_cast %get3A_962 : vector<1x1x16xf32> to vector<16xf32>
          %slice3A_964 = vector.extract_strided_slice %get3A_174 {offsets = [12], sizes = [1], strides = [1]} : vector<16xf32> to vector<1xf32>
          %squeeze3A_965 = vector.extract %slice3A_964[0] : f32 from vector<1xf32>
          %mul3A_966 = vector.broadcast %squeeze3A_965 : f32 to vector<16xf32>
          %mul3A_967 = arith.mulf %get3A_963, %mul3A_966 : vector<16xf32>
          %swap3A_968 = arith.index_cast %rem3A_114 : i32 to index
          %swap3A_969 = arith.index_cast %add3A_943 : i32 to index
          %swap3A_970 = arith.constant 16 : index
          %swap3A_971 = tpu.vector_load %arg13[%swap3A_968, %swap3A_969, %swap3A_970] {strides = array<i32>} : memref<4x128x64xf32, #tpu.memory_space<vmem>>, vector<1x1x16xf32>,
          %swap3A_972 = vector.shape_cast %swap3A_971 : vector<1x1x16xf32> to vector<16xf32>
          %swap3A_973 = vector.shape_cast %mul3A_967 : vector<16xf32> to vector<1x1x16xf32>
          tpu.vector_store %arg13[%swap3A_968, %swap3A_969, %swap3A_970], %swap3A_973 {strides = array<i32>} : memref<4x128x64xf32, #tpu.memory_space<vmem>>, vector<1x1x16xf32>,
          %get3A_974 = arith.index_cast %rem3A_114 : i32 to index
          %get3A_975 = arith.index_cast %add3A_943 : i32 to index
          %get3A_976 = arith.constant 32 : index
          %get3A_977 = tpu.vector_load %arg13[%get3A_974, %get3A_975, %get3A_976] {strides = array<i32>} : memref<4x128x64xf32, #tpu.memory_space<vmem>>, vector<1x1x16xf32>,
          %get3A_978 = vector.shape_cast %get3A_977 : vector<1x1x16xf32> to vector<16xf32>
          %slice3A_979 = vector.extract_strided_slice %get3A_174 {offsets = [12], sizes = [1], strides = [1]} : vector<16xf32> to vector<1xf32>
          %squeeze3A_980 = vector.extract %slice3A_979[0] : f32 from vector<1xf32>
          %mul3A_981 = vector.broadcast %squeeze3A_980 : f32 to vector<16xf32>
          %mul3A_982 = arith.mulf %get3A_978, %mul3A_981 : vector<16xf32>
          %swap3A_983 = arith.index_cast %rem3A_114 : i32 to index
          %swap3A_984 = arith.index_cast %add3A_943 : i32 to index
          %swap3A_985 = arith.constant 32 : index
          %swap3A_986 = tpu.vector_load %arg13[%swap3A_983, %swap3A_984, %swap3A_985] {strides = array<i32>} : memref<4x128x64xf32, #tpu.memory_space<vmem>>, vector<1x1x16xf32>,
          %swap3A_987 = vector.shape_cast %swap3A_986 : vector<1x1x16xf32> to vector<16xf32>
          %swap3A_988 = vector.shape_cast %mul3A_982 : vector<16xf32> to vector<1x1x16xf32>
          tpu.vector_store %arg13[%swap3A_983, %swap3A_984, %swap3A_985], %swap3A_988 {strides = array<i32>} : memref<4x128x64xf32, #tpu.memory_space<vmem>>, vector<1x1x16xf32>,
          %get3A_989 = arith.index_cast %rem3A_114 : i32 to index
          %get3A_990 = arith.index_cast %add3A_943 : i32 to index
          %get3A_991 = arith.constant 48 : index
          %get3A_992 = tpu.vector_load %arg13[%get3A_989, %get3A_990, %get3A_991] {strides = array<i32>} : memref<4x128x64xf32, #tpu.memory_space<vmem>>, vector<1x1x16xf32>,
          %get3A_993 = vector.shape_cast %get3A_992 : vector<1x1x16xf32> to vector<16xf32>
          %slice3A_994 = vector.extract_strided_slice %get3A_174 {offsets = [12], sizes = [1], strides = [1]} : vector<16xf32> to vector<1xf32>
          %squeeze3A_995 = vector.extract %slice3A_994[0] : f32 from vector<1xf32>
          %mul3A_996 = vector.broadcast %squeeze3A_995 : f32 to vector<16xf32>
          %mul3A_997 = arith.mulf %get3A_993, %mul3A_996 : vector<16xf32>
          %swap3A_998 = arith.index_cast %rem3A_114 : i32 to index
          %swap3A_999 = arith.index_cast %add3A_943 : i32 to index
          %swap3A_1000 = arith.constant 48 : index
          %swap3A_1001 = tpu.vector_load %arg13[%swap3A_998, %swap3A_999, %swap3A_1000] {strides = array<i32>} : memref<4x128x64xf32, #tpu.memory_space<vmem>>, vector<1x1x16xf32>,
          %swap3A_1002 = vector.shape_cast %swap3A_1001 : vector<1x1x16xf32> to vector<16xf32>
          %swap3A_1003 = vector.shape_cast %mul3A_997 : vector<16xf32> to vector<1x1x16xf32>
          tpu.vector_store %arg13[%swap3A_998, %swap3A_999, %swap3A_1000], %swap3A_1003 {strides = array<i32>} : memref<4x128x64xf32, #tpu.memory_space<vmem>>, vector<1x1x16xf32>,
          %mul3A_1004 = arith.constant 16 : i32
          %mul3A_1005 = arith.muli %scan3A_166, %mul3A_1004 : i32
          %add3A_1006 = arith.constant 13 : i32
          %add3A_1007 = arith.addi %mul3A_1005, %add3A_1006 : i32
          %get3A_1008 = arith.index_cast %rem3A_114 : i32 to index
          %get3A_1009 = arith.index_cast %add3A_1007 : i32 to index
          %get3A_1010 = arith.constant 0 : index
          %get3A_1011 = tpu.vector_load %arg13[%get3A_1008, %get3A_1009, %get3A_1010] {strides = array<i32>} : memref<4x128x64xf32, #tpu.memory_space<vmem>>, vector<1x1x16xf32>,
          %get3A_1012 = vector.shape_cast %get3A_1011 : vector<1x1x16xf32> to vector<16xf32>
          %slice3A_1013 = vector.extract_strided_slice %get3A_174 {offsets = [13], sizes = [1], strides = [1]} : vector<16xf32> to vector<1xf32>
          %squeeze3A_1014 = vector.extract %slice3A_1013[0] : f32 from vector<1xf32>
          %mul3A_1015 = vector.broadcast %squeeze3A_1014 : f32 to vector<16xf32>
          %mul3A_1016 = arith.mulf %get3A_1012, %mul3A_1015 : vector<16xf32>
          %swap3A_1017 = arith.index_cast %rem3A_114 : i32 to index
          %swap3A_1018 = arith.index_cast %add3A_1007 : i32 to index
          %swap3A_1019 = arith.constant 0 : index
          %swap3A_1020 = tpu.vector_load %arg13[%swap3A_1017, %swap3A_1018, %swap3A_1019] {strides = array<i32>} : memref<4x128x64xf32, #tpu.memory_space<vmem>>, vector<1x1x16xf32>,
          %swap3A_1021 = vector.shape_cast %swap3A_1020 : vector<1x1x16xf32> to vector<16xf32>
          %swap3A_1022 = vector.shape_cast %mul3A_1016 : vector<16xf32> to vector<1x1x16xf32>
          tpu.vector_store %arg13[%swap3A_1017, %swap3A_1018, %swap3A_1019], %swap3A_1022 {strides = array<i32>} : memref<4x128x64xf32, #tpu.memory_space<vmem>>, vector<1x1x16xf32>,
          %get3A_1023 = arith.index_cast %rem3A_114 : i32 to index
          %get3A_1024 = arith.index_cast %add3A_1007 : i32 to index
          %get3A_1025 = arith.constant 16 : index
          %get3A_1026 = tpu.vector_load %arg13[%get3A_1023, %get3A_1024, %get3A_1025] {strides = array<i32>} : memref<4x128x64xf32, #tpu.memory_space<vmem>>, vector<1x1x16xf32>,
          %get3A_1027 = vector.shape_cast %get3A_1026 : vector<1x1x16xf32> to vector<16xf32>
          %slice3A_1028 = vector.extract_strided_slice %get3A_174 {offsets = [13], sizes = [1], strides = [1]} : vector<16xf32> to vector<1xf32>
          %squeeze3A_1029 = vector.extract %slice3A_1028[0] : f32 from vector<1xf32>
          %mul3A_1030 = vector.broadcast %squeeze3A_1029 : f32 to vector<16xf32>
          %mul3A_1031 = arith.mulf %get3A_1027, %mul3A_1030 : vector<16xf32>
          %swap3A_1032 = arith.index_cast %rem3A_114 : i32 to index
          %swap3A_1033 = arith.index_cast %add3A_1007 : i32 to index
          %swap3A_1034 = arith.constant 16 : index
          %swap3A_1035 = tpu.vector_load %arg13[%swap3A_1032, %swap3A_1033, %swap3A_1034] {strides = array<i32>} : memref<4x128x64xf32, #tpu.memory_space<vmem>>, vector<1x1x16xf32>,
          %swap3A_1036 = vector.shape_cast %swap3A_1035 : vector<1x1x16xf32> to vector<16xf32>
          %swap3A_1037 = vector.shape_cast %mul3A_1031 : vector<16xf32> to vector<1x1x16xf32>
          tpu.vector_store %arg13[%swap3A_1032, %swap3A_1033, %swap3A_1034], %swap3A_1037 {strides = array<i32>} : memref<4x128x64xf32, #tpu.memory_space<vmem>>, vector<1x1x16xf32>,
          %get3A_1038 = arith.index_cast %rem3A_114 : i32 to index
          %get3A_1039 = arith.index_cast %add3A_1007 : i32 to index
          %get3A_1040 = arith.constant 32 : index
          %get3A_1041 = tpu.vector_load %arg13[%get3A_1038, %get3A_1039, %get3A_1040] {strides = array<i32>} : memref<4x128x64xf32, #tpu.memory_space<vmem>>, vector<1x1x16xf32>,
          %get3A_1042 = vector.shape_cast %get3A_1041 : vector<1x1x16xf32> to vector<16xf32>
          %slice3A_1043 = vector.extract_strided_slice %get3A_174 {offsets = [13], sizes = [1], strides = [1]} : vector<16xf32> to vector<1xf32>
          %squeeze3A_1044 = vector.extract %slice3A_1043[0] : f32 from vector<1xf32>
          %mul3A_1045 = vector.broadcast %squeeze3A_1044 : f32 to vector<16xf32>
          %mul3A_1046 = arith.mulf %get3A_1042, %mul3A_1045 : vector<16xf32>
          %swap3A_1047 = arith.index_cast %rem3A_114 : i32 to index
          %swap3A_1048 = arith.index_cast %add3A_1007 : i32 to index
          %swap3A_1049 = arith.constant 32 : index
          %swap3A_1050 = tpu.vector_load %arg13[%swap3A_1047, %swap3A_1048, %swap3A_1049] {strides = array<i32>} : memref<4x128x64xf32, #tpu.memory_space<vmem>>, vector<1x1x16xf32>,
          %swap3A_1051 = vector.shape_cast %swap3A_1050 : vector<1x1x16xf32> to vector<16xf32>
          %swap3A_1052 = vector.shape_cast %mul3A_1046 : vector<16xf32> to vector<1x1x16xf32>
          tpu.vector_store %arg13[%swap3A_1047, %swap3A_1048, %swap3A_1049], %swap3A_1052 {strides = array<i32>} : memref<4x128x64xf32, #tpu.memory_space<vmem>>, vector<1x1x16xf32>,
          %get3A_1053 = arith.index_cast %rem3A_114 : i32 to index
          %get3A_1054 = arith.index_cast %add3A_1007 : i32 to index
          %get3A_1055 = arith.constant 48 : index
          %get3A_1056 = tpu.vector_load %arg13[%get3A_1053, %get3A_1054, %get3A_1055] {strides = array<i32>} : memref<4x128x64xf32, #tpu.memory_space<vmem>>, vector<1x1x16xf32>,
          %get3A_1057 = vector.shape_cast %get3A_1056 : vector<1x1x16xf32> to vector<16xf32>
          %slice3A_1058 = vector.extract_strided_slice %get3A_174 {offsets = [13], sizes = [1], strides = [1]} : vector<16xf32> to vector<1xf32>
          %squeeze3A_1059 = vector.extract %slice3A_1058[0] : f32 from vector<1xf32>
          %mul3A_1060 = vector.broadcast %squeeze3A_1059 : f32 to vector<16xf32>
          %mul3A_1061 = arith.mulf %get3A_1057, %mul3A_1060 : vector<16xf32>
          %swap3A_1062 = arith.index_cast %rem3A_114 : i32 to index
          %swap3A_1063 = arith.index_cast %add3A_1007 : i32 to index
          %swap3A_1064 = arith.constant 48 : index
          %swap3A_1065 = tpu.vector_load %arg13[%swap3A_1062, %swap3A_1063, %swap3A_1064] {strides = array<i32>} : memref<4x128x64xf32, #tpu.memory_space<vmem>>, vector<1x1x16xf32>,
          %swap3A_1066 = vector.shape_cast %swap3A_1065 : vector<1x1x16xf32> to vector<16xf32>
          %swap3A_1067 = vector.shape_cast %mul3A_1061 : vector<16xf32> to vector<1x1x16xf32>
          tpu.vector_store %arg13[%swap3A_1062, %swap3A_1063, %swap3A_1064], %swap3A_1067 {strides = array<i32>} : memref<4x128x64xf32, #tpu.memory_space<vmem>>, vector<1x1x16xf32>,
          %mul3A_1068 = arith.constant 16 : i32
          %mul3A_1069 = arith.muli %scan3A_166, %mul3A_1068 : i32
          %add3A_1070 = arith.constant 14 : i32
          %add3A_1071 = arith.addi %mul3A_1069, %add3A_1070 : i32
          %get3A_1072 = arith.index_cast %rem3A_114 : i32 to index
          %get3A_1073 = arith.index_cast %add3A_1071 : i32 to index
          %get3A_1074 = arith.constant 0 : index
          %get3A_1075 = tpu.vector_load %arg13[%get3A_1072, %get3A_1073, %get3A_1074] {strides = array<i32>} : memref<4x128x64xf32, #tpu.memory_space<vmem>>, vector<1x1x16xf32>,
          %get3A_1076 = vector.shape_cast %get3A_1075 : vector<1x1x16xf32> to vector<16xf32>
          %slice3A_1077 = vector.extract_strided_slice %get3A_174 {offsets = [14], sizes = [1], strides = [1]} : vector<16xf32> to vector<1xf32>
          %squeeze3A_1078 = vector.extract %slice3A_1077[0] : f32 from vector<1xf32>
          %mul3A_1079 = vector.broadcast %squeeze3A_1078 : f32 to vector<16xf32>
          %mul3A_1080 = arith.mulf %get3A_1076, %mul3A_1079 : vector<16xf32>
          %swap3A_1081 = arith.index_cast %rem3A_114 : i32 to index
          %swap3A_1082 = arith.index_cast %add3A_1071 : i32 to index
          %swap3A_1083 = arith.constant 0 : index
          %swap3A_1084 = tpu.vector_load %arg13[%swap3A_1081, %swap3A_1082, %swap3A_1083] {strides = array<i32>} : memref<4x128x64xf32, #tpu.memory_space<vmem>>, vector<1x1x16xf32>,
          %swap3A_1085 = vector.shape_cast %swap3A_1084 : vector<1x1x16xf32> to vector<16xf32>
          %swap3A_1086 = vector.shape_cast %mul3A_1080 : vector<16xf32> to vector<1x1x16xf32>
          tpu.vector_store %arg13[%swap3A_1081, %swap3A_1082, %swap3A_1083], %swap3A_1086 {strides = array<i32>} : memref<4x128x64xf32, #tpu.memory_space<vmem>>, vector<1x1x16xf32>,
          %get3A_1087 = arith.index_cast %rem3A_114 : i32 to index
          %get3A_1088 = arith.index_cast %add3A_1071 : i32 to index
          %get3A_1089 = arith.constant 16 : index
          %get3A_1090 = tpu.vector_load %arg13[%get3A_1087, %get3A_1088, %get3A_1089] {strides = array<i32>} : memref<4x128x64xf32, #tpu.memory_space<vmem>>, vector<1x1x16xf32>,
          %get3A_1091 = vector.shape_cast %get3A_1090 : vector<1x1x16xf32> to vector<16xf32>
          %slice3A_1092 = vector.extract_strided_slice %get3A_174 {offsets = [14], sizes = [1], strides = [1]} : vector<16xf32> to vector<1xf32>
          %squeeze3A_1093 = vector.extract %slice3A_1092[0] : f32 from vector<1xf32>
          %mul3A_1094 = vector.broadcast %squeeze3A_1093 : f32 to vector<16xf32>
          %mul3A_1095 = arith.mulf %get3A_1091, %mul3A_1094 : vector<16xf32>
          %swap3A_1096 = arith.index_cast %rem3A_114 : i32 to index
          %swap3A_1097 = arith.index_cast %add3A_1071 : i32 to index
          %swap3A_1098 = arith.constant 16 : index
          %swap3A_1099 = tpu.vector_load %arg13[%swap3A_1096, %swap3A_1097, %swap3A_1098] {strides = array<i32>} : memref<4x128x64xf32, #tpu.memory_space<vmem>>, vector<1x1x16xf32>,
          %swap3A_1100 = vector.shape_cast %swap3A_1099 : vector<1x1x16xf32> to vector<16xf32>
          %swap3A_1101 = vector.shape_cast %mul3A_1095 : vector<16xf32> to vector<1x1x16xf32>
          tpu.vector_store %arg13[%swap3A_1096, %swap3A_1097, %swap3A_1098], %swap3A_1101 {strides = array<i32>} : memref<4x128x64xf32, #tpu.memory_space<vmem>>, vector<1x1x16xf32>,
          %get3A_1102 = arith.index_cast %rem3A_114 : i32 to index
          %get3A_1103 = arith.index_cast %add3A_1071 : i32 to index
          %get3A_1104 = arith.constant 32 : index
          %get3A_1105 = tpu.vector_load %arg13[%get3A_1102, %get3A_1103, %get3A_1104] {strides = array<i32>} : memref<4x128x64xf32, #tpu.memory_space<vmem>>, vector<1x1x16xf32>,
          %get3A_1106 = vector.shape_cast %get3A_1105 : vector<1x1x16xf32> to vector<16xf32>
          %slice3A_1107 = vector.extract_strided_slice %get3A_174 {offsets = [14], sizes = [1], strides = [1]} : vector<16xf32> to vector<1xf32>
          %squeeze3A_1108 = vector.extract %slice3A_1107[0] : f32 from vector<1xf32>
          %mul3A_1109 = vector.broadcast %squeeze3A_1108 : f32 to vector<16xf32>
          %mul3A_1110 = arith.mulf %get3A_1106, %mul3A_1109 : vector<16xf32>
          %swap3A_1111 = arith.index_cast %rem3A_114 : i32 to index
          %swap3A_1112 = arith.index_cast %add3A_1071 : i32 to index
          %swap3A_1113 = arith.constant 32 : index
          %swap3A_1114 = tpu.vector_load %arg13[%swap3A_1111, %swap3A_1112, %swap3A_1113] {strides = array<i32>} : memref<4x128x64xf32, #tpu.memory_space<vmem>>, vector<1x1x16xf32>,
          %swap3A_1115 = vector.shape_cast %swap3A_1114 : vector<1x1x16xf32> to vector<16xf32>
          %swap3A_1116 = vector.shape_cast %mul3A_1110 : vector<16xf32> to vector<1x1x16xf32>
          tpu.vector_store %arg13[%swap3A_1111, %swap3A_1112, %swap3A_1113], %swap3A_1116 {strides = array<i32>} : memref<4x128x64xf32, #tpu.memory_space<vmem>>, vector<1x1x16xf32>,
          %get3A_1117 = arith.index_cast %rem3A_114 : i32 to index
          %get3A_1118 = arith.index_cast %add3A_1071 : i32 to index
          %get3A_1119 = arith.constant 48 : index
          %get3A_1120 = tpu.vector_load %arg13[%get3A_1117, %get3A_1118, %get3A_1119] {strides = array<i32>} : memref<4x128x64xf32, #tpu.memory_space<vmem>>, vector<1x1x16xf32>,
          %get3A_1121 = vector.shape_cast %get3A_1120 : vector<1x1x16xf32> to vector<16xf32>
          %slice3A_1122 = vector.extract_strided_slice %get3A_174 {offsets = [14], sizes = [1], strides = [1]} : vector<16xf32> to vector<1xf32>
          %squeeze3A_1123 = vector.extract %slice3A_1122[0] : f32 from vector<1xf32>
          %mul3A_1124 = vector.broadcast %squeeze3A_1123 : f32 to vector<16xf32>
          %mul3A_1125 = arith.mulf %get3A_1121, %mul3A_1124 : vector<16xf32>
          %swap3A_1126 = arith.index_cast %rem3A_114 : i32 to index
          %swap3A_1127 = arith.index_cast %add3A_1071 : i32 to index
          %swap3A_1128 = arith.constant 48 : index
          %swap3A_1129 = tpu.vector_load %arg13[%swap3A_1126, %swap3A_1127, %swap3A_1128] {strides = array<i32>} : memref<4x128x64xf32, #tpu.memory_space<vmem>>, vector<1x1x16xf32>,
          %swap3A_1130 = vector.shape_cast %swap3A_1129 : vector<1x1x16xf32> to vector<16xf32>
          %swap3A_1131 = vector.shape_cast %mul3A_1125 : vector<16xf32> to vector<1x1x16xf32>
          tpu.vector_store %arg13[%swap3A_1126, %swap3A_1127, %swap3A_1128], %swap3A_1131 {strides = array<i32>} : memref<4x128x64xf32, #tpu.memory_space<vmem>>, vector<1x1x16xf32>,
          %mul3A_1132 = arith.constant 16 : i32
          %mul3A_1133 = arith.muli %scan3A_166, %mul3A_1132 : i32
          %add3A_1134 = arith.constant 15 : i32
          %add3A_1135 = arith.addi %mul3A_1133, %add3A_1134 : i32
          %get3A_1136 = arith.index_cast %rem3A_114 : i32 to index
          %get3A_1137 = arith.index_cast %add3A_1135 : i32 to index
          %get3A_1138 = arith.constant 0 : index
          %get3A_1139 = tpu.vector_load %arg13[%get3A_1136, %get3A_1137, %get3A_1138] {strides = array<i32>} : memref<4x128x64xf32, #tpu.memory_space<vmem>>, vector<1x1x16xf32>,
          %get3A_1140 = vector.shape_cast %get3A_1139 : vector<1x1x16xf32> to vector<16xf32>
          %slice3A_1141 = vector.extract_strided_slice %get3A_174 {offsets = [15], sizes = [1], strides = [1]} : vector<16xf32> to vector<1xf32>
          %squeeze3A_1142 = vector.extract %slice3A_1141[0] : f32 from vector<1xf32>
          %mul3A_1143 = vector.broadcast %squeeze3A_1142 : f32 to vector<16xf32>
          %mul3A_1144 = arith.mulf %get3A_1140, %mul3A_1143 : vector<16xf32>
          %swap3A_1145 = arith.index_cast %rem3A_114 : i32 to index
          %swap3A_1146 = arith.index_cast %add3A_1135 : i32 to index
          %swap3A_1147 = arith.constant 0 : index
          %swap3A_1148 = tpu.vector_load %arg13[%swap3A_1145, %swap3A_1146, %swap3A_1147] {strides = array<i32>} : memref<4x128x64xf32, #tpu.memory_space<vmem>>, vector<1x1x16xf32>,
          %swap3A_1149 = vector.shape_cast %swap3A_1148 : vector<1x1x16xf32> to vector<16xf32>
          %swap3A_1150 = vector.shape_cast %mul3A_1144 : vector<16xf32> to vector<1x1x16xf32>
          tpu.vector_store %arg13[%swap3A_1145, %swap3A_1146, %swap3A_1147], %swap3A_1150 {strides = array<i32>} : memref<4x128x64xf32, #tpu.memory_space<vmem>>, vector<1x1x16xf32>,
          %get3A_1151 = arith.index_cast %rem3A_114 : i32 to index
          %get3A_1152 = arith.index_cast %add3A_1135 : i32 to index
          %get3A_1153 = arith.constant 16 : index
          %get3A_1154 = tpu.vector_load %arg13[%get3A_1151, %get3A_1152, %get3A_1153] {strides = array<i32>} : memref<4x128x64xf32, #tpu.memory_space<vmem>>, vector<1x1x16xf32>,
          %get3A_1155 = vector.shape_cast %get3A_1154 : vector<1x1x16xf32> to vector<16xf32>
          %slice3A_1156 = vector.extract_strided_slice %get3A_174 {offsets = [15], sizes = [1], strides = [1]} : vector<16xf32> to vector<1xf32>
          %squeeze3A_1157 = vector.extract %slice3A_1156[0] : f32 from vector<1xf32>
          %mul3A_1158 = vector.broadcast %squeeze3A_1157 : f32 to vector<16xf32>
          %mul3A_1159 = arith.mulf %get3A_1155, %mul3A_1158 : vector<16xf32>
          %swap3A_1160 = arith.index_cast %rem3A_114 : i32 to index
          %swap3A_1161 = arith.index_cast %add3A_1135 : i32 to index
          %swap3A_1162 = arith.constant 16 : index
          %swap3A_1163 = tpu.vector_load %arg13[%swap3A_1160, %swap3A_1161, %swap3A_1162] {strides = array<i32>} : memref<4x128x64xf32, #tpu.memory_space<vmem>>, vector<1x1x16xf32>,
          %swap3A_1164 = vector.shape_cast %swap3A_1163 : vector<1x1x16xf32> to vector<16xf32>
          %swap3A_1165 = vector.shape_cast %mul3A_1159 : vector<16xf32> to vector<1x1x16xf32>
          tpu.vector_store %arg13[%swap3A_1160, %swap3A_1161, %swap3A_1162], %swap3A_1165 {strides = array<i32>} : memref<4x128x64xf32, #tpu.memory_space<vmem>>, vector<1x1x16xf32>,
          %get3A_1166 = arith.index_cast %rem3A_114 : i32 to index
          %get3A_1167 = arith.index_cast %add3A_1135 : i32 to index
          %get3A_1168 = arith.constant 32 : index
          %get3A_1169 = tpu.vector_load %arg13[%get3A_1166, %get3A_1167, %get3A_1168] {strides = array<i32>} : memref<4x128x64xf32, #tpu.memory_space<vmem>>, vector<1x1x16xf32>,
          %get3A_1170 = vector.shape_cast %get3A_1169 : vector<1x1x16xf32> to vector<16xf32>
          %slice3A_1171 = vector.extract_strided_slice %get3A_174 {offsets = [15], sizes = [1], strides = [1]} : vector<16xf32> to vector<1xf32>
          %squeeze3A_1172 = vector.extract %slice3A_1171[0] : f32 from vector<1xf32>
          %mul3A_1173 = vector.broadcast %squeeze3A_1172 : f32 to vector<16xf32>
          %mul3A_1174 = arith.mulf %get3A_1170, %mul3A_1173 : vector<16xf32>
          %swap3A_1175 = arith.index_cast %rem3A_114 : i32 to index
          %swap3A_1176 = arith.index_cast %add3A_1135 : i32 to index
          %swap3A_1177 = arith.constant 32 : index
          %swap3A_1178 = tpu.vector_load %arg13[%swap3A_1175, %swap3A_1176, %swap3A_1177] {strides = array<i32>} : memref<4x128x64xf32, #tpu.memory_space<vmem>>, vector<1x1x16xf32>,
          %swap3A_1179 = vector.shape_cast %swap3A_1178 : vector<1x1x16xf32> to vector<16xf32>
          %swap3A_1180 = vector.shape_cast %mul3A_1174 : vector<16xf32> to vector<1x1x16xf32>
          tpu.vector_store %arg13[%swap3A_1175, %swap3A_1176, %swap3A_1177], %swap3A_1180 {strides = array<i32>} : memref<4x128x64xf32, #tpu.memory_space<vmem>>, vector<1x1x16xf32>,
          %get3A_1181 = arith.index_cast %rem3A_114 : i32 to index
          %get3A_1182 = arith.index_cast %add3A_1135 : i32 to index
          %get3A_1183 = arith.constant 48 : index
          %get3A_1184 = tpu.vector_load %arg13[%get3A_1181, %get3A_1182, %get3A_1183] {strides = array<i32>} : memref<4x128x64xf32, #tpu.memory_space<vmem>>, vector<1x1x16xf32>,
          %get3A_1185 = vector.shape_cast %get3A_1184 : vector<1x1x16xf32> to vector<16xf32>
          %slice3A_1186 = vector.extract_strided_slice %get3A_174 {offsets = [15], sizes = [1], strides = [1]} : vector<16xf32> to vector<1xf32>
          %squeeze3A_1187 = vector.extract %slice3A_1186[0] : f32 from vector<1xf32>
          %mul3A_1188 = vector.broadcast %squeeze3A_1187 : f32 to vector<16xf32>
          %mul3A_1189 = arith.mulf %get3A_1185, %mul3A_1188 : vector<16xf32>
          %swap3A_1190 = arith.index_cast %rem3A_114 : i32 to index
          %swap3A_1191 = arith.index_cast %add3A_1135 : i32 to index
          %swap3A_1192 = arith.constant 48 : index
          %swap3A_1193 = tpu.vector_load %arg13[%swap3A_1190, %swap3A_1191, %swap3A_1192] {strides = array<i32>} : memref<4x128x64xf32, #tpu.memory_space<vmem>>, vector<1x1x16xf32>,
          %swap3A_1194 = vector.shape_cast %swap3A_1193 : vector<1x1x16xf32> to vector<16xf32>
          %swap3A_1195 = vector.shape_cast %mul3A_1189 : vector<16xf32> to vector<1x1x16xf32>
          tpu.vector_store %arg13[%swap3A_1190, %swap3A_1191, %swap3A_1192], %swap3A_1195 {strides = array<i32>} : memref<4x128x64xf32, #tpu.memory_space<vmem>>, vector<1x1x16xf32>,
          %scan3A_1196 = arith.constant 0 : i32
          scf.yield %scan3A_1196 : i32
        }
        %scan3A_133 = arith.constant 8 : i32
        %dma_start3A_134 = arith.constant 0 : i32
        %dma_start3A_135 = arith.constant 0 : i32
        %dma_start3A_136 = tpu.memref_slice %arg13[%rem3A_114, %dma_start3A_134, %dma_start3A_135] : memref<4x128x64xf32, #tpu.memory_space<vmem>> -> memref<1x128x64xf32, #tpu.memory_space<vmem>>
        %dma_start3A_137 = tpu.memref_squeeze %dma_start3A_136 : memref<1x128x64xf32, #tpu.memory_space<vmem>> -> memref<128x64xf32, #tpu.memory_space<vmem>>
        %dma_start3A_138 = arith.constant 0 : i32
        %dma_start3A_139 = tpu.memref_slice %arg11[%scan3A_112, %dma_start3A_138] : memref<32x128xi32, #tpu.memory_space<vmem>> -> memref<1x128xi32, #tpu.memory_space<vmem>>
        %dma_start3A_140 = tpu.memref_squeeze %dma_start3A_139 : memref<1x128xi32, #tpu.memory_space<vmem>> -> memref<128xi32, #tpu.memory_space<vmem>>
        %dma_start3A_141 = arith.constant 0 : i32
        %dma_start3A_142 = arith.constant 0 : i32
        %dma_start3A_143 = tpu.memref_slice %arg9[%dma_start3A_141, %dma_start3A_142] : memref<10240x64xf32, #tpu.memory_space<vmem_shared>> -> memref<10240x64xf32, #tpu.memory_space<vmem_shared>>
        %dma_start3A_144 = tpu.memref_slice %arg15[%rem3A_114] : memref<4x!tpu.dma_semaphore, #tpu.memory_space<semaphore_mem>> -> memref<1x!tpu.dma_semaphore, #tpu.memory_space<semaphore_mem>>
        %dma_start3A_145 = tpu.memref_squeeze %dma_start3A_144 : memref<1x!tpu.dma_semaphore, #tpu.memory_space<semaphore_mem>> -> memref<!tpu.dma_semaphore, #tpu.memory_space<semaphore_mem>>
        tpu.enqueue_indirect_dma source(%dma_start3A_137 : memref<128x64xf32, #tpu.memory_space<vmem>>) target(%dma_start3A_143 : memref<10240x64xf32, #tpu.memory_space<vmem_shared>>) offsets(%dma_start3A_140 : memref<128xi32, #tpu.memory_space<vmem>>) semaphore(%dma_start3A_145 : memref<!tpu.dma_semaphore, #tpu.memory_space<semaphore_mem>>) {add = true}
        %add3A_146 = arith.constant 2 : i32
        %add3A_147 = arith.addi %scan3A_112, %add3A_146 : i32
        %rem3A_148 = arith.constant 4 : i32
        %rem3A_149 = arith.remsi %add3A_147, %rem3A_148 : i32
        %ge3A = arith.constant 2 : i32
        %ge3A_150 = arith.cmpi sge, %scan3A_112, %ge3A : i32
        %add3A_151 = arith.constant 2 : i32
        %add3A_152 = arith.addi %scan3A_112, %add3A_151 : i32
        %lt3A = arith.constant 32 : i32
        %lt3A_153 = arith.cmpi slt, %add3A_152, %lt3A : i32
        %and3A = arith.andi %ge3A_150, %lt3A_153 : i1
        %convert_element_type3A = arith.extui %and3A : i1 to i32
        %cond3A = arith.constant 0 : i32
        %cond3A_154 = arith.cmpi ne, %convert_element_type3A, %cond3A : i32
        scf.if %cond3A_154 {
          %sub3A = arith.constant 2 : i32
          %sub3A_166 = arith.subi %scan3A_112, %sub3A : i32
          %dma_wait3A_167 = arith.constant 0 : i32
          %dma_wait3A_168 = arith.constant 0 : i32
          %dma_wait3A_169 = tpu.memref_slice %arg13[%rem3A_149, %dma_wait3A_167, %dma_wait3A_168] : memref<4x128x64xf32, #tpu.memory_space<vmem>> -> memref<1x128x64xf32, #tpu.memory_space<vmem>>
          %dma_wait3A_170 = tpu.memref_squeeze %dma_wait3A_169 : memref<1x128x64xf32, #tpu.memory_space<vmem>> -> memref<128x64xf32, #tpu.memory_space<vmem>>
          %dma_wait3A_171 = arith.constant 0 : i32
          %dma_wait3A_172 = tpu.memref_slice %arg11[%sub3A_166, %dma_wait3A_171] : memref<32x128xi32, #tpu.memory_space<vmem>> -> memref<1x128xi32, #tpu.memory_space<vmem>>
          %dma_wait3A_173 = tpu.memref_squeeze %dma_wait3A_172 : memref<1x128xi32, #tpu.memory_space<vmem>> -> memref<128xi32, #tpu.memory_space<vmem>>
          %dma_wait3A_174 = arith.constant 0 : i32
          %dma_wait3A_175 = arith.constant 0 : i32
          %dma_wait3A_176 = tpu.memref_slice %arg9[%dma_wait3A_174, %dma_wait3A_175] : memref<10240x64xf32, #tpu.memory_space<vmem_shared>> -> memref<10240x64xf32, #tpu.memory_space<vmem_shared>>
          %dma_wait3A_177 = tpu.memref_slice %arg15[%rem3A_149] : memref<4x!tpu.dma_semaphore, #tpu.memory_space<semaphore_mem>> -> memref<1x!tpu.dma_semaphore, #tpu.memory_space<semaphore_mem>>
          %dma_wait3A_178 = tpu.memref_squeeze %dma_wait3A_177 : memref<1x!tpu.dma_semaphore, #tpu.memory_space<semaphore_mem>> -> memref<!tpu.dma_semaphore, #tpu.memory_space<semaphore_mem>>
          tpu.wait_indirect_dma semaphore(%dma_wait3A_178 : memref<!tpu.dma_semaphore, #tpu.memory_space<semaphore_mem>>) src(%dma_wait3A_170 : memref<128x64xf32, #tpu.memory_space<vmem>>) dst(%dma_wait3A_176 : memref<10240x64xf32, #tpu.memory_space<vmem_shared>>)
          %add3A_179 = arith.constant 2 : i32
          %add3A_180 = arith.addi %scan3A_112, %add3A_179 : i32
          %dma_start3A_181 = arith.constant 0 : i32
          %dma_start3A_182 = arith.constant 0 : i32
          %dma_start3A_183 = tpu.memref_slice %arg13[%rem3A_149, %dma_start3A_181, %dma_start3A_182] : memref<4x128x64xf32, #tpu.memory_space<vmem>> -> memref<1x128x64xf32, #tpu.memory_space<vmem>>
          %dma_start3A_184 = tpu.memref_squeeze %dma_start3A_183 : memref<1x128x64xf32, #tpu.memory_space<vmem>> -> memref<128x64xf32, #tpu.memory_space<vmem>>
          %dma_start3A_185 = arith.constant 0 : i32
          %dma_start3A_186 = tpu.memref_slice %arg10[%add3A_180, %dma_start3A_185] : memref<32x128xi32, #tpu.memory_space<vmem>> -> memref<1x128xi32, #tpu.memory_space<vmem>>
          %dma_start3A_187 = tpu.memref_squeeze %dma_start3A_186 : memref<1x128xi32, #tpu.memory_space<vmem>> -> memref<128xi32, #tpu.memory_space<vmem>>
          %dma_start3A_188 = arith.constant 0 : i32
          %dma_start3A_189 = arith.constant 0 : i32
          %dma_start3A_190 = tpu.memref_slice %arg8[%dma_start3A_188, %dma_start3A_189] : memref<10240x64xf32, #tpu.memory_space<vmem_shared>> -> memref<10240x64xf32, #tpu.memory_space<vmem_shared>>
          %dma_start3A_191 = tpu.memref_slice %arg14[%rem3A_149] : memref<4x!tpu.dma_semaphore, #tpu.memory_space<semaphore_mem>> -> memref<1x!tpu.dma_semaphore, #tpu.memory_space<semaphore_mem>>
          %dma_start3A_192 = tpu.memref_squeeze %dma_start3A_191 : memref<1x!tpu.dma_semaphore, #tpu.memory_space<semaphore_mem>> -> memref<!tpu.dma_semaphore, #tpu.memory_space<semaphore_mem>>
          tpu.enqueue_indirect_dma source(%dma_start3A_190 : memref<10240x64xf32, #tpu.memory_space<vmem_shared>>) target(%dma_start3A_184 : memref<128x64xf32, #tpu.memory_space<vmem>>) offsets(%dma_start3A_187 : memref<128xi32, #tpu.memory_space<vmem>>) semaphore(%dma_start3A_192 : memref<!tpu.dma_semaphore, #tpu.memory_space<semaphore_mem>>)
        } else {
        }
        %lt3A_155 = arith.constant 2 : i32
        %lt3A_156 = arith.cmpi slt, %scan3A_112, %lt3A_155 : i32
        %add3A_157 = arith.constant 2 : i32
        %add3A_158 = arith.addi %scan3A_112, %add3A_157 : i32
        %lt3A_159 = arith.constant 32 : i32
        %lt3A_160 = arith.cmpi slt, %add3A_158, %lt3A_159 : i32
        %and3A_161 = arith.andi %lt3A_156, %lt3A_160 : i1
        %convert_element_type3A_162 = arith.extui %and3A_161 : i1 to i32
        %cond3A_163 = arith.constant 0 : i32
        %cond3A_164 = arith.cmpi ne, %convert_element_type3A_162, %cond3A_163 : i32
        scf.if %cond3A_164 {
          %add3A_166 = arith.constant 2 : i32
          %add3A_167 = arith.addi %scan3A_112, %add3A_166 : i32
          %dma_start3A_168 = arith.constant 0 : i32
          %dma_start3A_169 = arith.constant 0 : i32
          %dma_start3A_170 = tpu.memref_slice %arg13[%rem3A_149, %dma_start3A_168, %dma_start3A_169] : memref<4x128x64xf32, #tpu.memory_space<vmem>> -> memref<1x128x64xf32, #tpu.memory_space<vmem>>
          %dma_start3A_171 = tpu.memref_squeeze %dma_start3A_170 : memref<1x128x64xf32, #tpu.memory_space<vmem>> -> memref<128x64xf32, #tpu.memory_space<vmem>>
          %dma_start3A_172 = arith.constant 0 : i32
          %dma_start3A_173 = tpu.memref_slice %arg10[%add3A_167, %dma_start3A_172] : memref<32x128xi32, #tpu.memory_space<vmem>> -> memref<1x128xi32, #tpu.memory_space<vmem>>
          %dma_start3A_174 = tpu.memref_squeeze %dma_start3A_173 : memref<1x128xi32, #tpu.memory_space<vmem>> -> memref<128xi32, #tpu.memory_space<vmem>>
          %dma_start3A_175 = arith.constant 0 : i32
          %dma_start3A_176 = arith.constant 0 : i32
          %dma_start3A_177 = tpu.memref_slice %arg8[%dma_start3A_175, %dma_start3A_176] : memref<10240x64xf32, #tpu.memory_space<vmem_shared>> -> memref<10240x64xf32, #tpu.memory_space<vmem_shared>>
          %dma_start3A_178 = tpu.memref_slice %arg14[%rem3A_149] : memref<4x!tpu.dma_semaphore, #tpu.memory_space<semaphore_mem>> -> memref<1x!tpu.dma_semaphore, #tpu.memory_space<semaphore_mem>>
          %dma_start3A_179 = tpu.memref_squeeze %dma_start3A_178 : memref<1x!tpu.dma_semaphore, #tpu.memory_space<semaphore_mem>> -> memref<!tpu.dma_semaphore, #tpu.memory_space<semaphore_mem>>
          tpu.enqueue_indirect_dma source(%dma_start3A_177 : memref<10240x64xf32, #tpu.memory_space<vmem_shared>>) target(%dma_start3A_171 : memref<128x64xf32, #tpu.memory_space<vmem>>) offsets(%dma_start3A_174 : memref<128xi32, #tpu.memory_space<vmem>>) semaphore(%dma_start3A_179 : memref<!tpu.dma_semaphore, #tpu.memory_space<semaphore_mem>>)
        } else {
        }
        %scan3A_165 = arith.constant 0 : i32
        scf.yield %scan3A_165 : i32
      }
      %scan3A_51 = arith.constant 32 : i32
      %dma_wait3A = arith.constant 0 : i32
      %dma_wait3A_52 = arith.constant 28 : i32
      %dma_wait3A_53 = arith.constant 0 : i32
      %dma_wait3A_54 = arith.constant 0 : i32
      %dma_wait3A_55 = arith.constant 0 : i32
      %dma_wait3A_56 = tpu.memref_slice %arg13[%dma_wait3A, %dma_wait3A_54, %dma_wait3A_55] : memref<4x128x64xf32, #tpu.memory_space<vmem>> -> memref<1x128x64xf32, #tpu.memory_space<vmem>>
      %dma_wait3A_57 = tpu.memref_squeeze %dma_wait3A_56 : memref<1x128x64xf32, #tpu.memory_space<vmem>> -> memref<128x64xf32, #tpu.memory_space<vmem>>
      %dma_wait3A_58 = arith.constant 0 : i32
      %dma_wait3A_59 = tpu.memref_slice %arg11[%dma_wait3A_52, %dma_wait3A_58] : memref<32x128xi32, #tpu.memory_space<vmem>> -> memref<1x128xi32, #tpu.memory_space<vmem>>
      %dma_wait3A_60 = tpu.memref_squeeze %dma_wait3A_59 : memref<1x128xi32, #tpu.memory_space<vmem>> -> memref<128xi32, #tpu.memory_space<vmem>>
      %dma_wait3A_61 = arith.constant 0 : i32
      %dma_wait3A_62 = arith.constant 0 : i32
      %dma_wait3A_63 = tpu.memref_slice %arg9[%dma_wait3A_61, %dma_wait3A_62] : memref<10240x64xf32, #tpu.memory_space<vmem_shared>> -> memref<10240x64xf32, #tpu.memory_space<vmem_shared>>
      %dma_wait3A_64 = tpu.memref_slice %arg15[%dma_wait3A_53] : memref<4x!tpu.dma_semaphore, #tpu.memory_space<semaphore_mem>> -> memref<1x!tpu.dma_semaphore, #tpu.memory_space<semaphore_mem>>
      %dma_wait3A_65 = tpu.memref_squeeze %dma_wait3A_64 : memref<1x!tpu.dma_semaphore, #tpu.memory_space<semaphore_mem>> -> memref<!tpu.dma_semaphore, #tpu.memory_space<semaphore_mem>>
      tpu.wait_indirect_dma semaphore(%dma_wait3A_65 : memref<!tpu.dma_semaphore, #tpu.memory_space<semaphore_mem>>) src(%dma_wait3A_57 : memref<128x64xf32, #tpu.memory_space<vmem>>) dst(%dma_wait3A_63 : memref<10240x64xf32, #tpu.memory_space<vmem_shared>>)
      %dma_wait3A_66 = arith.constant 1 : i32
      %dma_wait3A_67 = arith.constant 29 : i32
      %dma_wait3A_68 = arith.constant 1 : i32
      %dma_wait3A_69 = arith.constant 0 : i32
      %dma_wait3A_70 = arith.constant 0 : i32
      %dma_wait3A_71 = tpu.memref_slice %arg13[%dma_wait3A_66, %dma_wait3A_69, %dma_wait3A_70] : memref<4x128x64xf32, #tpu.memory_space<vmem>> -> memref<1x128x64xf32, #tpu.memory_space<vmem>>
      %dma_wait3A_72 = tpu.memref_squeeze %dma_wait3A_71 : memref<1x128x64xf32, #tpu.memory_space<vmem>> -> memref<128x64xf32, #tpu.memory_space<vmem>>
      %dma_wait3A_73 = arith.constant 0 : i32
      %dma_wait3A_74 = tpu.memref_slice %arg11[%dma_wait3A_67, %dma_wait3A_73] : memref<32x128xi32, #tpu.memory_space<vmem>> -> memref<1x128xi32, #tpu.memory_space<vmem>>
      %dma_wait3A_75 = tpu.memref_squeeze %dma_wait3A_74 : memref<1x128xi32, #tpu.memory_space<vmem>> -> memref<128xi32, #tpu.memory_space<vmem>>
      %dma_wait3A_76 = arith.constant 0 : i32
      %dma_wait3A_77 = arith.constant 0 : i32
      %dma_wait3A_78 = tpu.memref_slice %arg9[%dma_wait3A_76, %dma_wait3A_77] : memref<10240x64xf32, #tpu.memory_space<vmem_shared>> -> memref<10240x64xf32, #tpu.memory_space<vmem_shared>>
      %dma_wait3A_79 = tpu.memref_slice %arg15[%dma_wait3A_68] : memref<4x!tpu.dma_semaphore, #tpu.memory_space<semaphore_mem>> -> memref<1x!tpu.dma_semaphore, #tpu.memory_space<semaphore_mem>>
      %dma_wait3A_80 = tpu.memref_squeeze %dma_wait3A_79 : memref<1x!tpu.dma_semaphore, #tpu.memory_space<semaphore_mem>> -> memref<!tpu.dma_semaphore, #tpu.memory_space<semaphore_mem>>
      tpu.wait_indirect_dma semaphore(%dma_wait3A_80 : memref<!tpu.dma_semaphore, #tpu.memory_space<semaphore_mem>>) src(%dma_wait3A_72 : memref<128x64xf32, #tpu.memory_space<vmem>>) dst(%dma_wait3A_78 : memref<10240x64xf32, #tpu.memory_space<vmem_shared>>)
      %dma_wait3A_81 = arith.constant 2 : i32
      %dma_wait3A_82 = arith.constant 30 : i32
      %dma_wait3A_83 = arith.constant 2 : i32
      %dma_wait3A_84 = arith.constant 0 : i32
      %dma_wait3A_85 = arith.constant 0 : i32
      %dma_wait3A_86 = tpu.memref_slice %arg13[%dma_wait3A_81, %dma_wait3A_84, %dma_wait3A_85] : memref<4x128x64xf32, #tpu.memory_space<vmem>> -> memref<1x128x64xf32, #tpu.memory_space<vmem>>
      %dma_wait3A_87 = tpu.memref_squeeze %dma_wait3A_86 : memref<1x128x64xf32, #tpu.memory_space<vmem>> -> memref<128x64xf32, #tpu.memory_space<vmem>>
      %dma_wait3A_88 = arith.constant 0 : i32
      %dma_wait3A_89 = tpu.memref_slice %arg11[%dma_wait3A_82, %dma_wait3A_88] : memref<32x128xi32, #tpu.memory_space<vmem>> -> memref<1x128xi32, #tpu.memory_space<vmem>>
      %dma_wait3A_90 = tpu.memref_squeeze %dma_wait3A_89 : memref<1x128xi32, #tpu.memory_space<vmem>> -> memref<128xi32, #tpu.memory_space<vmem>>
      %dma_wait3A_91 = arith.constant 0 : i32
      %dma_wait3A_92 = arith.constant 0 : i32
      %dma_wait3A_93 = tpu.memref_slice %arg9[%dma_wait3A_91, %dma_wait3A_92] : memref<10240x64xf32, #tpu.memory_space<vmem_shared>> -> memref<10240x64xf32, #tpu.memory_space<vmem_shared>>
      %dma_wait3A_94 = tpu.memref_slice %arg15[%dma_wait3A_83] : memref<4x!tpu.dma_semaphore, #tpu.memory_space<semaphore_mem>> -> memref<1x!tpu.dma_semaphore, #tpu.memory_space<semaphore_mem>>
      %dma_wait3A_95 = tpu.memref_squeeze %dma_wait3A_94 : memref<1x!tpu.dma_semaphore, #tpu.memory_space<semaphore_mem>> -> memref<!tpu.dma_semaphore, #tpu.memory_space<semaphore_mem>>
      tpu.wait_indirect_dma semaphore(%dma_wait3A_95 : memref<!tpu.dma_semaphore, #tpu.memory_space<semaphore_mem>>) src(%dma_wait3A_87 : memref<128x64xf32, #tpu.memory_space<vmem>>) dst(%dma_wait3A_93 : memref<10240x64xf32, #tpu.memory_space<vmem_shared>>)
      %dma_wait3A_96 = arith.constant 3 : i32
      %dma_wait3A_97 = arith.constant 31 : i32
      %dma_wait3A_98 = arith.constant 3 : i32
      %dma_wait3A_99 = arith.constant 0 : i32
      %dma_wait3A_100 = arith.constant 0 : i32
      %dma_wait3A_101 = tpu.memref_slice %arg13[%dma_wait3A_96, %dma_wait3A_99, %dma_wait3A_100] : memref<4x128x64xf32, #tpu.memory_space<vmem>> -> memref<1x128x64xf32, #tpu.memory_space<vmem>>
      %dma_wait3A_102 = tpu.memref_squeeze %dma_wait3A_101 : memref<1x128x64xf32, #tpu.memory_space<vmem>> -> memref<128x64xf32, #tpu.memory_space<vmem>>
      %dma_wait3A_103 = arith.constant 0 : i32
      %dma_wait3A_104 = tpu.memref_slice %arg11[%dma_wait3A_97, %dma_wait3A_103] : memref<32x128xi32, #tpu.memory_space<vmem>> -> memref<1x128xi32, #tpu.memory_space<vmem>>
      %dma_wait3A_105 = tpu.memref_squeeze %dma_wait3A_104 : memref<1x128xi32, #tpu.memory_space<vmem>> -> memref<128xi32, #tpu.memory_space<vmem>>
      %dma_wait3A_106 = arith.constant 0 : i32
      %dma_wait3A_107 = arith.constant 0 : i32
      %dma_wait3A_108 = tpu.memref_slice %arg9[%dma_wait3A_106, %dma_wait3A_107] : memref<10240x64xf32, #tpu.memory_space<vmem_shared>> -> memref<10240x64xf32, #tpu.memory_space<vmem_shared>>
      %dma_wait3A_109 = tpu.memref_slice %arg15[%dma_wait3A_98] : memref<4x!tpu.dma_semaphore, #tpu.memory_space<semaphore_mem>> -> memref<1x!tpu.dma_semaphore, #tpu.memory_space<semaphore_mem>>
      %dma_wait3A_110 = tpu.memref_squeeze %dma_wait3A_109 : memref<1x!tpu.dma_semaphore, #tpu.memory_space<semaphore_mem>> -> memref<!tpu.dma_semaphore, #tpu.memory_space<semaphore_mem>>
      tpu.wait_indirect_dma semaphore(%dma_wait3A_110 : memref<!tpu.dma_semaphore, #tpu.memory_space<semaphore_mem>>) src(%dma_wait3A_102 : memref<128x64xf32, #tpu.memory_space<vmem>>) dst(%dma_wait3A_108 : memref<10240x64xf32, #tpu.memory_space<vmem_shared>>)
      %scan3A_111 = arith.constant 0 : i32
      scf.yield %scan3A_111 : i32
    }
    %scan3A_8 = arith.constant 5 : i32
    %barrier3A_9 = arith.constant 0 : index
    tpu.barrier barrier_id(%barrier3A_9)
    "tpu.region"() ({
      %run_scoped3A = tpu.sem_alloc : memref<!tpu.dma_semaphore, #tpu.memory_space<semaphore_mem>>
      %dma_start3A = arith.constant 0 : i32
      %dma_start3A_10 = tpu.memref_slice %arg7[%arg0, %mul3A_0, %dma_start3A] : memref<2x10240x64xf32, #tpu.memory_space<hbm>> -> memref<1x640x64xf32, #tpu.memory_space<hbm>>
      %dma_start3A_11 = tpu.memref_squeeze %dma_start3A_10 : memref<1x640x64xf32, #tpu.memory_space<hbm>> -> memref<640x64xf32, #tpu.memory_space<hbm>>
      %dma_start3A_12 = arith.constant 0 : i32
      %dma_start3A_13 = tpu.memref_slice %arg9[%mul3A_0, %dma_start3A_12] : memref<10240x64xf32, #tpu.memory_space<vmem_shared>> -> memref<640x64xf32, #tpu.memory_space<vmem_shared>>
      tpu.enqueue_dma source(%dma_start3A_13 : memref<640x64xf32, #tpu.memory_space<vmem_shared>>) target(%dma_start3A_11 : memref<640x64xf32, #tpu.memory_space<hbm>>) target_semaphore(%run_scoped3A : memref<!tpu.dma_semaphore, #tpu.memory_space<semaphore_mem>>)
      %dma_wait3A = arith.constant 0 : i32
      %dma_wait3A_14 = tpu.memref_slice %arg7[%arg0, %mul3A_0, %dma_wait3A] : memref<2x10240x64xf32, #tpu.memory_space<hbm>> -> memref<1x640x64xf32, #tpu.memory_space<hbm>>
      %dma_wait3A_15 = tpu.memref_squeeze %dma_wait3A_14 : memref<1x640x64xf32, #tpu.memory_space<hbm>> -> memref<640x64xf32, #tpu.memory_space<hbm>>
      %dma_wait3A_16 = arith.constant 0 : i32
      %dma_wait3A_17 = tpu.memref_slice %arg9[%mul3A_0, %dma_wait3A_16] : memref<10240x64xf32, #tpu.memory_space<vmem_shared>> -> memref<640x64xf32, #tpu.memory_space<vmem_shared>>
      tpu.wait_dma2 semaphore(%run_scoped3A : memref<!tpu.dma_semaphore, #tpu.memory_space<semaphore_mem>>) src(%dma_wait3A_17 : memref<640x64xf32, #tpu.memory_space<vmem_shared>>) dst(%dma_wait3A_15 : memref<640x64xf32, #tpu.memory_space<hbm>>)
      tpu.yield
    }) : () -> ()
    return
  }
}

module attributes {stable_mosaic.version = 14 : i64} {
  func.func @_combine_matmul_body(%arg0: i32, %arg1: memref<2x1000x64xf32, #tpu.memory_space<vmem>>, %arg2: memref<128x128xf32, #tpu.memory_space<vmem>>, %arg3: memref<1000x128xf32, #tpu.memory_space<vmem>>) attributes {dimension_semantics = [#tpu.dimension_semantics<arbitrary>], iteration_bounds = array<i64: 10>, scalar_prefetch = 0 : i64, scratch_operands = 0 : i64, tpu.core_type = #tpu.core_type<tc>, window_params = [{transform_indices = @transform_0, window_bounds = array<i64: 2, 1000, 64>}, {pipeline_mode = #tpu.pipeline_mode<synchronous>, transform_indices = @transform_1, window_bounds = array<i64: 128, 128>}, {transform_indices = @transform_2, window_bounds = array<i64: 1000, 128>}]} {
    %get3A = arith.constant 0 : index
    %get3A_0 = arith.constant 0 : index
    %get3A_1 = arith.constant 0 : index
    %get3A_2 = vector.load %arg1[%get3A, %get3A_0, %get3A_1] : memref<2x1000x64xf32, #tpu.memory_space<vmem>>, vector<1x1000x64xf32>
    %get3A_3 = vector.shape_cast %get3A_2 : vector<1x1000x64xf32> to vector<1000x64xf32>
    %get3A_4 = arith.constant 0 : index
    %get3A_5 = arith.constant 0 : index
    %get3A_6 = vector.load %arg2[%get3A_4, %get3A_5] : memref<128x128xf32, #tpu.memory_space<vmem>>, vector<64x128xf32>
    %dot_general3A = arith.constant dense<0.000000e+00> : vector<1000x128xf32>
    %dot_general3A_7 = tpu.matmul %get3A_3, %get3A_6, %dot_general3A {dimension_numbers = #tpu.dot_dimension_numbers<[1], [0], [0], [1], [0, 0, 1, 1], [], []>, precision = #tpu.contract_precision<fp32>, transpose_lhs_hint = false} : vector<1000x64xf32>, vector<64x128xf32>, vector<1000x128xf32> -> vector<1000x128xf32>
    %get3A_8 = arith.constant 1 : index
    %get3A_9 = arith.constant 0 : index
    %get3A_10 = arith.constant 0 : index
    %get3A_11 = vector.load %arg1[%get3A_8, %get3A_9, %get3A_10] : memref<2x1000x64xf32, #tpu.memory_space<vmem>>, vector<1x1000x64xf32>
    %get3A_12 = vector.shape_cast %get3A_11 : vector<1x1000x64xf32> to vector<1000x64xf32>
    %get3A_13 = arith.constant 64 : index
    %get3A_14 = arith.constant 0 : index
    %get3A_15 = vector.load %arg2[%get3A_13, %get3A_14] : memref<128x128xf32, #tpu.memory_space<vmem>>, vector<64x128xf32>
    %dot_general3A_16 = arith.constant dense<0.000000e+00> : vector<1000x128xf32>
    %dot_general3A_17 = tpu.matmul %get3A_12, %get3A_15, %dot_general3A_16 {dimension_numbers = #tpu.dot_dimension_numbers<[1], [0], [0], [1], [0, 0, 1, 1], [], []>, precision = #tpu.contract_precision<fp32>, transpose_lhs_hint = false} : vector<1000x64xf32>, vector<64x128xf32>, vector<1000x128xf32> -> vector<1000x128xf32>
    %add3A = arith.addf %dot_general3A_7, %dot_general3A_17 : vector<1000x128xf32>
    %swap3A = arith.constant 0 : index
    %swap3A_18 = arith.constant 0 : index
    %swap3A_19 = vector.load %arg3[%swap3A, %swap3A_18] : memref<1000x128xf32, #tpu.memory_space<vmem>>, vector<1000x128xf32>
    tpu.vector_store %arg3[%swap3A, %swap3A_18], %add3A {strides = array<i32>} : memref<1000x128xf32, #tpu.memory_space<vmem>>, vector<1000x128xf32>,
    return
  }
  func.func @transform_0(%arg0: i32) -> (i32, i32, i32) {
    %c0_i32 = arith.constant 0 : i32
    %c0_i32_0 = arith.constant 0 : i32
    %c0_i32_1 = arith.constant 0 : i32
    return %c0_i32, %arg0, %c0_i32_0 : i32, i32, i32
  }
  func.func @transform_1(%arg0: i32) -> (i32, i32) {
    %c0_i32 = arith.constant 0 : i32
    %c0_i32_0 = arith.constant 0 : i32
    %c0_i32_1 = arith.constant 0 : i32
    return %c0_i32, %c0_i32_0 : i32, i32
  }
  func.func @transform_2(%arg0: i32) -> (i32, i32) {
    %c0_i32 = arith.constant 0 : i32
    %c0_i32_0 = arith.constant 0 : i32
    return %arg0, %c0_i32 : i32, i32
  }
}

</mosaic_0001>

<sc_bundles>
// kernel: kernel.4.cloned.1.call-start
scs
__scs_entry_jumppad:
0x0: {  	(pc) =	sbr.rel $0x88, $3  }
0x1: {  	(tag) =	ssettag $0x0;
	lr =	simm.s32 $0x1  }
0x2: {  	[smem:$0x3F9C] =	sst lr;
	_ =	strace $0xD0000000  }
0x3: {  	_ = 	snop  }
0x4: {  	_ = 	snop  }
0x5: {  	_ = 	snop  }
0x6: {  	_ = 	snop  }
0x7: {  	_ = 	snop  }
__scs_overlays_trampoline_lowered:
0x8: {  	[smem:$0x3FAB] =	sst s0  }
0x9: {  	[smem:$0x3FAC] =	sst s1  }
0xa: {  	[smem:$0x3FAD] =	sst s2  }
0xb: {  	[smem:$0x3FAE] =	sst s3  }
0xc: {  	[smem:$0x3FAF] =	sst s4  }
0xd: {  	[smem:$0x3FB0] =	sst s5  }
0xe: {  	[smem:$0x3FB1] =	sst s6  }
0xf: {  	[smem:$0x3FB2] =	sst s7  }
0x10: {  	[smem:$0x3FB3] =	sst s8  }
0x11: {  	[smem:$0x3FB4] =	sst s9;
	s0 =	simm.s32 @!p0 $0x0  }
0x12: {  	s1 =	sld [smem:$0x3F9A];
	s0 =	simm.s32 @p0 $0x1  }
0x13: {  	[smem:$0x3FB5] =	sst s0;
	s0 =	simm.s32 @!p1 $0x0  }
0x14: {  	s2 =	sld [smem:$0x3F99];
	s0 =	simm.s32 @p1 $0x1  }
0x15: {  	[smem:$0x3FB6] =	sst s0;
	s0 =	simm.s32 @!p2 $0x0  }
0x16: {  	s3 =	sld [smem:$0x3FDB];
	s0 =	simm.s32 @p2 $0x1  }
0x17: {  	s4 =	simm.s32 $0x1BF5;
	[smem:$0x3FB8] =	sst s0  }
0x18: {  	s0 =	sld [smem:$0x3F9B];
	_ =	swait.ge [sflag:s4], $0x0  }
0x19: {  	s7 =	sld [smem:$0x3F9C]  }
0x1a: {  	s8 =	sadd.s32 $0xFFFFE003, lr  }
0x1b: {  	s9 =	sadd.s32 $0xFFFFFEF7, lr;
	s5 =	simm.s32 $0xFFFFFFFF;
	p2 =	slt.u32 s8, $0xFFFFF086  }
0x1c: {  	p1 =	slt.u32 s9, $0xF7A;
	s5 =	simm.s32 @!p2 $0x0  }
0x1d: {  	s5 =	simm.s32 @p1 $0x1;
	p0 =	seq.s32 s7, s2  }
0x1e: {  	s7 =	smul.u32 @!p0 $0xF7A, s2;
	p2 =	seq.s32 @!p0 s5, $0x0  }
0x1f: {  	s9 =	smul.u32 $0xF7A, s1;
	s8 =	simm.s32 @!p0 $0x1BF5;
	p2 =	por !p2, p0  }
0x20: {  	[sflag:s8] =	ssyncset.s32 @!p0 $0xFFFFF086;
	s6 =	sadd.s32 @!p0 s3, s7;
	s7 =	simm.s32 @!p0 $0x108  }
0x21: {  	s3 =	sadd.s32 s3, s9;
	s6 =	sadd.s32 @!p0 $0x88, s6;
	s7 =	simm.s32 @p2 $0x1082  }
0x22: {  	[simem:s7], [sflag:s8] =	dma.local @!p0 [hbm:s6], $0xF7A  }
0x23: {  	s9 =	sor.u32 $0xD0000000, s2;
	s6 =	simm.s32 $0x108;
	_ =	swait.ge @!p0 [sflag:s8], $0x0  }
0x24: {  	s3 =	sadd.s32 $0x88, s3;
	s6 =	simm.s32 @!p1 $0x1082;
	[sflag:s4] =	ssyncset.s32 $0xFFFFF086  }
0x25: {  	[simem:s6], [sflag:s4] =	dma.local [hbm:s3], $0xF7A  }
0x26: {  	[smem:$0x3F9C] =	sst s1;
	(tag) =	ssettag s2;
	_ =	strace s9  }
0x27: {  	s1 =	sld [smem:$0x3FAC]  }
0x28: {  	s2 =	sld [smem:$0x3FAD]  }
0x29: {  	s4 =	sld [smem:$0x3FAF]  }
0x2a: {  	p0 =	seq.s32 s5, $0x0;
	s5 =	sld [smem:$0x3FB0]  }
0x2b: {  	s6 =	sld [smem:$0x3FB1]  }
0x2c: {  	s7 =	sld [smem:$0x3FB2]  }
0x2d: {  	s3 =	simm.s32 $0x108;
	s8 =	sld [smem:$0x3FB3]  }
0x2e: {  	s3 =	simm.s32 @!p0 $0x1082;
	s9 =	sld [smem:$0x3FB4]  }
0x2f: {  	lr =	sadd.s32 s0, s3;
	s0 =	sld [smem:$0x3FAB]  }
0x30: {  	s3 =	sld [smem:$0x3FAE]  }
0x31: {  	[smem:$0x3FB7] =	sst s10  }
0x32: {  	s10 =	sld [smem:$0x3FB5];
	_ =	sdelay $0x3  }
0x33: {  	p0 =	seq.s32 s10, $0x1;
	s10 =	sld [smem:$0x3FB7];
	_ =	sdelay $0x3  }
0x34: {  	[smem:$0x3FB7] =	sst s10  }
0x35: {  	s10 =	sld [smem:$0x3FB6];
	_ =	sdelay $0x3  }
0x36: {  	p1 =	seq.s32 s10, $0x1;
	s10 =	sld [smem:$0x3FB7];
	_ =	sdelay $0x3  }
0x37: {  	[smem:$0x3FB7] =	sst s10  }
0x38: {  	s10 =	sld [smem:$0x3FB8]  }
0x39: {  	_ = 	snop;
	(pc) =	sbr.ind lr, $3  }
0x3a: {  	_ = 	snop  }
0x3b: {  	_ = 	snop  }
0x3c: {  	p2 =	seq.s32 s10, $0x1;
	s10 =	sld [smem:$0x3FB7]  }
0x3d: {  	_ =	shalt  }
0x3e: {  	_ =	shalt  }
0x3f: {  	_ =	shalt  }
0x40: {  	_ =	shalt  }
0x41: {  	_ =	shalt  }
0x42: {  	_ =	shalt  }
0x43: {  	_ =	shalt  }
0x44: {  	_ =	shalt  }
0x45: {  	_ =	shalt  }
0x46: {  	_ =	shalt  }
0x47: {  	_ =	shalt  }
0x48: {  	_ =	shalt  }
0x49: {  	_ =	shalt  }
0x4a: {  	_ =	shalt  }
0x4b: {  	_ =	shalt  }
0x4c: {  	_ =	shalt  }
0x4d: {  	_ =	shalt  }
0x4e: {  	_ =	shalt  }
0x4f: {  	_ =	shalt  }
0x50: {  	_ =	shalt  }
0x51: {  	_ =	shalt  }
0x52: {  	_ =	shalt  }
0x53: {  	_ =	shalt  }
0x54: {  	_ =	shalt  }
0x55: {  	_ =	shalt  }
0x56: {  	_ =	shalt  }
0x57: {  	_ =	shalt  }
0x58: {  	_ =	shalt  }
0x59: {  	_ =	shalt  }
0x5a: {  	_ =	shalt  }
0x5b: {  	_ =	shalt  }
0x5c: {  	_ =	shalt  }
0x5d: {  	_ =	shalt  }
0x5e: {  	_ =	shalt  }
0x5f: {  	_ =	shalt  }
0x60: {  	_ =	shalt  }
0x61: {  	_ =	shalt  }
0x62: {  	_ =	shalt  }
0x63: {  	_ =	shalt  }
0x64: {  	_ =	shalt  }
0x65: {  	_ =	shalt  }
0x66: {  	_ =	shalt  }
0x67: {  	_ =	shalt  }
0x68: {  	_ =	shalt  }
0x69: {  	_ =	shalt  }
0x6a: {  	_ =	shalt  }
0x6b: {  	_ =	shalt  }
0x6c: {  	_ =	shalt  }
0x6d: {  	_ =	shalt  }
0x6e: {  	_ =	shalt  }
0x6f: {  	_ =	shalt  }
0x70: {  	_ =	shalt  }
0x71: {  	_ =	shalt  }
0x72: {  	_ =	shalt  }
0x73: {  	_ =	shalt  }
0x74: {  	_ =	shalt  }
0x75: {  	_ =	shalt  }
0x76: {  	_ =	shalt  }
0x77: {  	_ =	shalt  }
0x78: {  	_ =	shalt  }
0x79: {  	_ =	shalt  }
0x7a: {  	_ =	shalt  }
0x7b: {  	_ =	shalt  }
0x7c: {  	_ =	shalt  }
0x7d: {  	_ =	shalt  }
0x7e: {  	_ =	shalt  }
0x7f: {  	_ =	shalt  }
0x80: {  	_ =	shalt  }
0x81: {  	_ =	shalt  }
0x82: {  	_ =	shalt  }
0x83: {  	_ =	shalt  }
0x84: {  	_ =	shalt  }
0x85: {  	_ =	shalt  }
0x86: {  	_ =	shalt  }
0x87: {  	_ =	shalt  }
.Lfunc_end0:
.L_simem_size_0:
called_computation_lowered:
.L_overlay_start_0:
0x88: {  	s2 =	sld [smem:$0x3FD9]  }
0x89: {  	s3 =	sld [smem:$0x3FFE];
	_ =	sdelay $0x1  }
0x8a: {  	s1 =	srdreg.scid  }
0x8b: {  	s0 =	sand.u32 $0x1, s1  }
0x8c: {  	s17 =	sshll.u32 s0, $0xA;
	s2 =	sadd.s32 s3, s2  }
0x8d: {  	s2 =	sadd.s32 s2, s17  }
0x8e: {  	[smem:$0x3FC3] =	sst s2  }
0x8f: {  	_ = 	snop  }
0x90: {  	s2 =	sld [smem:$0x3FD0];
	(tm) =	ssettm $0x1  }
0x91: {  	s18 =	sld [smem:$0x3FFB];
	_ =	sdelay $0x3  }
0x92: {  	_ =	strace s18  }
0x93: {  	s3 =	sld [smem:$0x3FFC];
	_ =	sdelay $0x3  }
0x94: {  	_ =	strace s3  }
0x95: {  	s3 =	sld [smem:$0x3FFD];
	_ =	sdelay $0x3  }
0x96: {  	_ =	strace s3  }
0x97: {  	_ =	strace $0x8FFFFFFF  }
0x98: {  	s19 =	sld [smem:$0x3FDB];
	_ =	sdelay $0x1  }
0x99: {  	s4 =	simm.s32 $_scs_section_size  }
0x9a: {  	s5 =	simm.s32 $_size__tile_overlayer_lowered;
	s6 =	simm.s32 $_tile_overlayer_lowered  }
0x9b: {  	s22 =	simm.s32 $0x1BFF;
	s21 =	sshll.u32 s6, $0x1;
	s3 =	sadd.s32 s4, s19  }
0x9c: {  	s7 =	simm.s32 $0x0;
	s20 =	sshll.u32 s5, $0x1;
	s5 =	sadd.s32 s21, s3  }
0x9d: {  	[timem:s7], [sflag:s22] =	dma.local [hbm:s5], s20  }
0x9e: {  	_ =	swait.ge [sflag:s22], s20  }
0x9f: {  	s4 =	ssub.s32 $0x0, s20;
	[sflag:s22] =	ssyncset.done $0x0  }
0xa0: {  	[sflag:s22] =	ssyncadd.s32 s4;
	_ =	sdelay $0x1  }
0xa1: {  	s23 =	simm.s32 $0x1B8B  }
0xa2: {  	_ =	swait.ge [sflag:s23], $0x1  }
0xa3: {  	[sflag:s23] =	ssyncset.done $0x0  }
0xa4: {  	s25 =	simm.s32 $0x1B8E;
	s24 =	sld [smem:$0x3FFE];
	[sflag:s23] =	ssyncadd.s32 $0xFFFFFFFF  }
0xa5: {  	s26 =	simm.s32 $execute0_lowered;
	[smem:$0x3FD2] =	sst s25  }
0xa6: {  	s5 =	sshll.u32 s26, $0x1;
	_ =	strace $0x80000046;
	[dreg:$0x1] =	wrdreg $0xFFFFFFFF  }
0xa7: {  	s28 =	simm.s32 $_size_execute0_lowered;
	s3 =	sadd.s32 s3, s5;
	[dreg:$0x0] =	wrdreg $0x0  }
0xa8: {  	s5 =	sshll.u32 s28, $0x1;
	[dreg:$0x2] =	wrdreg s3  }
0xa9: {  	[dreg:$0x3] =	wrdreg s5  }
0xaa: {  	[dreg:$0x4] =	wrdreg $0xC0  }
0xab: {  	_ =	task [dreg:s7], $0x5FFFF  }
0xac: {  	[dreg:$0x1] =	wrdreg $0xFFFFFFFF  }
0xad: {  	[dreg:$0x0] =	wrdreg $0x60  }
0xae: {  	[dreg:$0x2] =	wrdreg s24  }
0xaf: {  	[dreg:$0x3] =	wrdreg s2  }
0xb0: {  	[dreg:$0x4] =	wrdreg $0x0  }
0xb1: {  	[dreg:$0x5] =	wrdreg $0xA0000  }
0xb2: {  	[dreg:$0x6] =	wrdreg $0x9  }
0xb3: {  	_ =	task.clear_ibuf [dreg:s7], $0x7FFFF;
	_ =	strace $0x90000046  }
0xb4: {  	s29 =	simm.s32 $0x9;
	_ =	strace $0x80000048  }
0xb5: {  	_ =	swait.ge [sflag:s29], $0x1  }
0xb6: {  	[sflag:s29] =	ssyncadd.s32 $0xFFFFFFFF  }
0xb7: {  	_ =	strace $0x90000048  }
0xb8: {  	_ =	sfence  }
0xb9: {  	s30 =	sld [smem:$0x0];
	_ =	sdelay $0x2  }
0xba: {  	s31 =	sshll.u32 s1, $0xD;
	s1 =	sshrl.u32 s1, $0x2  }
0xbb: {  	s3 =	sand.u32 $0x4000, s31;
	s1 =	sadd.s32 s1, s30  }
0xbc: {  	s0 =	sor.u32 s3, s0;
	s1 =	sshll.u32 s1, $0x11  }
0xbd: {  	s0 =	sor.u32 s1, s0  }
0xbe: {  	s0 =	sadd.s32 $0x8F2B, s0  }
0xbf: {  	[sflag:s0] =	ssyncadd.remote.s32 $0x1  }
0xc0: {  	_ =	sfence.sel $0xFFFF  }
0xc1: {  	[dreg:$0x0] =	wrdreg $0xFFFFFFFF;
	(pc) =	sbr.abs _section_cstart, $3  }
0xc2: {  	[dreg:$0x1] =	wrdreg $0xFFFFFFFF  }
0xc3: {  	_ =	task.clear_ibuf [dreg:s7], $0x2FFFF;
	_ =	strace $0x9FFFFFFF  }
0xc4: {  	(tm) =	ssettm $0x7FFFFFFF  }
0xc5: {  	_ =	shalt  }
tec
execute0_lowered:
.L_overlay_start_1:
0x0: {  	(tag) =	ssettag $0x1  }
0x1: {  	s0 =	rddreg [dreg:$0x0]  }
0x2: {  	s1 =	rddreg [dreg:$0x1]  }
0x3: {  	s2 =	rddreg [dreg:$0x2]  }
0x4: {  	s3 =	rddreg [dreg:$0x3];
	s4 =	srdreg.scid  }
0x5: {  	s5 =	simm.s32 $0x0;
	s11 =	stileid.u32;
	s15 =	simm.s32 $0x9  }
0x6: {  	s17 =	simm.s32 $0x14000;
	s18 =	simm.s32 $0x15000;
	s19 =	simm.s32 $0x80  }
0x7: {  	s20 =	simm.s32 $0x17000;
	s21 =	simm.s32 $0x14080;
	s22 =	simm.s32 $0x19000  }
0x8: {  	s23 =	simm.s32 $0x5;
	s24 =	simm.s32 $0x6;
	s25 =	simm.s32 $0x7  }
0x9: {  	s26 =	simm.s32 $0x8;
	s4 =	sand.u32 $0x1, s4;
	s8 =	smul.u32 $0xA000, s11  }
0xa: {  	[smem:$0x7FF] =	sst s5;
	s30 =	sshll.u32 s11, $0x6;
	s11 =	smul.u32 $0x5000, s11  }
0xb: {  	s6 =	sadd.s32 $0x32C00, s0;
	s12 =	sadd.s32 $0x3CC00, s0;
	s7 =	smul.u32 $0xA0000, s4  }
0xc: {  	_ =	strace $0x80000047;
	s4 =	ssub.s32 $0x2, s4;
	[dreg:$0x5] =	wrdreg s12  }
0xd: {  	s10 =	sshrl.u32 s4, $0x1;
	s28 =	sadd.s32 s8, s2;
	s9 =	sadd.s32 s8, s7  }
.Ltmp0:
0xe: {  	s4 =	ssub.s32 s4, s10;
	s9 =	sshrl.u32 s9, $0x3;
	(pc) =	sbr.rel .LBB2_1-.Ltmp0, $4  }
0xf: {  	s7 =	sadd.s32 $0x28C00, s0;
	s31 =	smax.u32 s4, $0x1;
	s0 =	sadd.s32 s9, s0  }
0x10: {  	s10 =	sor.u32 $0x1C09, s30;
	[dreg:$0x8] =	wrdreg s31;
	s29 =	sadd.s32 $0xC00, s0  }
0x11: {  	s8 =	sadd.s32 s8, s3;
	s0 =	sadd.s32 $0x3E000, s0;
	[dreg:$0x6] =	wrdreg s29  }
0x12: {  	s14 =	sshrl.u32 s28, $0x3;
	s16 =	sshrl.u32 s8, $0x3;
	[dreg:$0x7] =	wrdreg s0  }
.LBB2_11:
0x13: {  	[bflag:$0x0] =	sbarrier.arrive $0xFFFF  }
0x14: {  	s0 =	rddreg [dreg:$0x7]  }
0x15: {  	[hbm:s0], [sflag:s10] =	dma.local [spmem:s16], $0x1400  }
0x16: {  	_ =	swait.ge [sflag:s15], $0x1400  }
0x17: {  	s5 =	sadd.s32 $0x1, s5;
	s31 =	rddreg [dreg:$0x8]  }
0x18: {  	p0 =	sne.s32 s5, s31  }
.Ltmp1:
0x19: {  	_ = 	snop;
	(pc) =	sbr.rel @!p0 .LBB2_12-.Ltmp1, $3  }
0x1a: {  	_ =	sdelay $0x1  }
0x1b: {  	[sflag:s15] =	ssyncset.done $0x0  }
0x1c: {  	[sflag:s15] =	ssyncadd.s32 $0xFFFFEC00  }
.LBB2_1:
0x1d: {  	s0 =	rddreg [dreg:$0x6]  }
0x1e: {  	[spmem:s14], [sflag:s10] =	dma.local [hbm:s0], $0x1400  }
0x1f: {  	_ =	swait.ge [sflag:s15], $0x1400  }
0x20: {  	[sflag:s15] =	ssyncset.done $0x0  }
0x21: {  	s31 =	rddreg [dreg:$0x5];
	[sflag:s15] =	ssyncadd.s32 $0xFFFFEC00  }
0x22: {  	[spmem:s16], [sflag:s10] =	dma.local [hbm:s31], $0x1400  }
.Ltmp2:
0x23: {  	_ =	swait.ge [sflag:s15], $0x1400;
	(pc) =	sbr.rel .LBB2_2-.Ltmp2, $4  }
0x24: {  	[sflag:s15] =	ssyncset.done $0x0  }
0x25: {  	[sflag:s15] =	ssyncadd.s32 $0xFFFFEC00  }
0x26: {  	[bflag:$0x0] =	sbarrier.arrive $0xFFFF  }
0x27: {  	s28 =	simm.s32 $0x0  }
.LBB2_10:
0x28: {  	_ =	swait.ge [sflag:s23], $0x2000  }
0x29: {  	[sflag:s23] =	ssyncset.done $0x0  }
0x2a: {  	[sflag:s23] =	ssyncadd.s32 $0xFFFFE000  }
0x2b: {  	_ =	swait.ge [sflag:s24], $0x2000  }
0x2c: {  	[sflag:s24] =	ssyncset.done $0x0  }
0x2d: {  	s28 =	sadd.s32 $0x1, s28;
	[sflag:s24] =	ssyncadd.s32 $0xFFFFE000  }
0x2e: {  	p0 =	sne.s32 s28, $0x5;
	_ =	swait.ge [sflag:s25], $0x2000  }
.Ltmp3:
0x2f: {  	[sflag:s25] =	ssyncset.done $0x0;
	(pc) =	sbr.rel @!p0 .LBB2_11-.Ltmp3, $4  }
0x30: {  	[sflag:s25] =	ssyncadd.s32 $0xFFFFE000  }
0x31: {  	_ =	swait.ge [sflag:s26], $0x2000  }
0x32: {  	[sflag:s26] =	ssyncset.done $0x0  }
0x33: {  	[sflag:s26] =	ssyncadd.s32 $0xFFFFE000  }
.LBB2_2:
0x34: {  	s0 =	sshll.u32 s28, $0xC  }
0x35: {  	s0 =	sadd.s32 s11, s0  }
0x36: {  	s0 =	sshrl.u32 s0, $0x3  }
0x37: {  	s29 =	simm.s32 $0x0;
	s4 =	sadd.s32 s1, s0  }
0x38: {  	[tilespmem:s17], [sflag:$0x9] =	stream.linear.gather [hbm4b:s4+s29], $0x1000, $0x38;
	[tilespmem:$0x1F000] =	vst v63  }
0x39: {  	_ =	swait.ge [sflag:s15], $0x1000  }
0x3a: {  	[sflag:s15] =	ssyncset.done $0x0  }
0x3b: {  	s13 =	sadd.s32 s6, s0;
	[sflag:s15] =	ssyncadd.s32 $0xFFFFF000  }
0x3c: {  	[tilespmem:s18], [sflag:$0x9] =	stream.linear.gather [hbm4b:s13+s29], $0x1000, $0x38;
	[tilespmem:$0x1F000] =	vst v63  }
0x3d: {  	_ =	swait.ge [sflag:s15], $0x1000  }
0x3e: {  	[sflag:s15] =	ssyncset.done $0x0  }
0x3f: {  	s30 =	simm.s32 $0x16000;
	s0 =	sadd.s32 s7, s0;
	[sflag:s15] =	ssyncadd.s32 $0xFFFFF000  }
0x40: {  	[tilespmem:s30], [sflag:$0x9] =	stream.linear.gather [hbm4b:s0+s29], $0x1000, $0x38;
	[tilespmem:$0x1F000] =	vst v63  }
0x41: {  	_ =	swait.ge [sflag:s15], $0x1000  }
.Ltmp4:
0x42: {  	[sflag:s15] =	ssyncset.done $0x0;
	(pc) =	sbr.rel .LBB2_3-.Ltmp4, $4  }
0x43: {  	[sflag:s15] =	ssyncadd.s32 $0xFFFFF000  }
0x44: {  	[tilespmem:s20], [sflag:$0x1] =	stream.indirect.gather [spmem:s2], $0x40, s17, s19, $0xb8;
	[tilespmem:$0x1F000] =	vst v63  }
0x45: {  	s31 =	simm.s32 $0x0  }
0x46: {  	[tilespmem:s22], [sflag:$0x2] =	stream.indirect.gather [spmem:s2], $0x40, s21, s19, $0xb8;
	[tilespmem:$0x1F000] =	vst v63  }
.LBB2_6:
0x47: {  	s8 =	sadd.s32 $0x5, s0  }
0x48: {  	_ =	swait.ge [sflag:s8], $0x2000  }
0x49: {  	[sflag:s8] =	ssyncset.done $0x0  }
0x4a: {  	[sflag:s8] =	ssyncadd.s32 $0xFFFFE000;
	s8 =	smov.u32 s0  }
.LBB2_8:
0x4b: {  	s8 =	sshll.u32 s8, $0xD;
	s4 =	sshll.u32 s4, $0x7  }
0x4c: {  	s8 =	sand.u32 $0x3FFFE000, s8;
	s4 =	sand.u32 $0x3FFFFF80, s4  }
0x4d: {  	s0 =	sadd.s32 $0x1, s0;
	s8 =	sadd.s32 $0x17000, s8;
	s4 =	sadd.s32 $0x14000, s4  }
0x4e: {  	[tilespmem:s8], [sflag:s0] =	stream.indirect.gather [spmem:s2], $0x40, s4, s19, $0xb8;
	[tilespmem:$0x1F000] =	vst v63  }
.LBB2_9:
0x4f: {  	s31 =	sadd.s32 $0x1, s31  }
0x50: {  	p0 =	sne.s32 s31, $0x20  }
.Ltmp5:
0x51: {  	_ = 	snop;
	(pc) =	sbr.rel @!p0 .LBB2_10-.Ltmp5, $2  }
0x52: {  	_ =	sdelay $0x2  }
0x53: {  	s30 =	sadd.s32 $0x80, s30;
	s29 =	sadd.s32 $0x1, s29  }
.LBB2_3:
0x54: {  	s0 =	sand.u32 $0x3, s31  }
0x55: {  	s8 =	sand.u32 $0x3, s29;
	v0 =	vmov s30;
	s4 =	sadd.s32 $0x1, s0  }
0x56: {  	s9 =	sshll.u32 s31, $0x9;
	s12 =	simm.s32 $0x0;
	_ =	swait.ge [sflag:s4], $0x2000  }
0x57: {  	s8 =	sshll.u32 s8, $0xD;
	s13 =	sshll.u32 s0, $0xD;
	[sflag:s4] =	ssyncset.done $0x0  }
0x58: {  	s8 =	sadd.s32 $0x17200, s8;
	[sflag:s4] =	ssyncadd.s32 $0xFFFFE000;
	s4 =	sadd.s32 $0x17000, s13  }
.LBB2_4:
0x59: {  	s13 =	sshra.s32 s12, $0x2  }
0x5a: {  	v1 =	vld.idx.msk [tilespmem:v0+s13+$0x0 ss:$0x1], $0xffff;
	_ =	sdelay $0x1  }
0x5b: {  	v2 =	vld [tilespmem:s8+$0xFFFFFE00];
	_ =	sdelay $0x2  }
0x5c: {  	v3 =	vbroadcast v1, $0x0;
	_ =	sdelay $0x1  }
0x5d: {  	v2 =	vmul.f32 v3, v2;
	_ =	sdelay $0x1  }
0x5e: {  	[tilespmem:s8+$0xFFFFFE00] =	vst v2;
	v2 =	vld [tilespmem:s8+$0xFFFFFE10];
	_ =	sdelay $0x4  }
0x5f: {  	v2 =	vmul.f32 v2, v3;
	_ =	sdelay $0x1  }
0x60: {  	[tilespmem:s8+$0xFFFFFE10] =	vst v2;
	v2 =	vld [tilespmem:s8+$0xFFFFFE20];
	_ =	sdelay $0x4  }
0x61: {  	v2 =	vmul.f32 v2, v3;
	_ =	sdelay $0x1  }
0x62: {  	[tilespmem:s8+$0xFFFFFE20] =	vst v2;
	v2 =	vld [tilespmem:s8+$0xFFFFFE30];
	_ =	sdelay $0x4  }
0x63: {  	v2 =	vmul.f32 v2, v3;
	_ =	sdelay $0x1  }
0x64: {  	[tilespmem:s8+$0xFFFFFE30] =	vst v2;
	v2 =	vld [tilespmem:s8+$0xFFFFFE40];
	_ =	sdelay $0x2  }
0x65: {  	v3 =	vbroadcast v1, $0x1;
	_ =	sdelay $0x1  }
0x66: {  	v2 =	vmul.f32 v2, v3;
	_ =	sdelay $0x1  }
0x67: {  	[tilespmem:s8+$0xFFFFFE40] =	vst v2;
	v2 =	vld [tilespmem:s8+$0xFFFFFE50];
	_ =	sdelay $0x4  }
0x68: {  	v2 =	vmul.f32 v2, v3;
	_ =	sdelay $0x1  }
0x69: {  	[tilespmem:s8+$0xFFFFFE50] =	vst v2;
	v2 =	vld [tilespmem:s8+$0xFFFFFE60];
	_ =	sdelay $0x4  }
0x6a: {  	v2 =	vmul.f32 v2, v3;
	_ =	sdelay $0x1  }
0x6b: {  	[tilespmem:s8+$0xFFFFFE60] =	vst v2;
	v2 =	vld [tilespmem:s8+$0xFFFFFE70];
	_ =	sdelay $0x4  }
0x6c: {  	v2 =	vmul.f32 v2, v3;
	_ =	sdelay $0x1  }
0x6d: {  	[tilespmem:s8+$0xFFFFFE70] =	vst v2;
	v2 =	vld [tilespmem:s8+$0xFFFFFE80];
	_ =	sdelay $0x2  }
0x6e: {  	v3 =	vbroadcast v1, $0x2;
	_ =	sdelay $0x1  }
0x6f: {  	v2 =	vmul.f32 v2, v3;
	_ =	sdelay $0x1  }
0x70: {  	[tilespmem:s8+$0xFFFFFE80] =	vst v2;
	v2 =	vld [tilespmem:s8+$0xFFFFFE90];
	_ =	sdelay $0x4  }
0x71: {  	v2 =	vmul.f32 v2, v3;
	_ =	sdelay $0x1  }
0x72: {  	[tilespmem:s8+$0xFFFFFE90] =	vst v2;
	v2 =	vld [tilespmem:s8+$0xFFFFFEA0];
	_ =	sdelay $0x4  }
0x73: {  	v2 =	vmul.f32 v2, v3;
	_ =	sdelay $0x1  }
0x74: {  	[tilespmem:s8+$0xFFFFFEA0] =	vst v2;
	v2 =	vld [tilespmem:s8+$0xFFFFFEB0];
	_ =	sdelay $0x4  }
0x75: {  	v2 =	vmul.f32 v2, v3;
	_ =	sdelay $0x1  }
0x76: {  	[tilespmem:s8+$0xFFFFFEB0] =	vst v2;
	v2 =	vld [tilespmem:s8+$0xFFFFFEC0];
	_ =	sdelay $0x2  }
0x77: {  	v3 =	vbroadcast v1, $0x3;
	_ =	sdelay $0x1  }
0x78: {  	v2 =	vmul.f32 v2, v3;
	_ =	sdelay $0x1  }
0x79: {  	[tilespmem:s8+$0xFFFFFEC0] =	vst v2;
	v2 =	vld [tilespmem:s8+$0xFFFFFED0];
	_ =	sdelay $0x4  }
0x7a: {  	v2 =	vmul.f32 v2, v3;
	_ =	sdelay $0x1  }
0x7b: {  	[tilespmem:s8+$0xFFFFFED0] =	vst v2;
	v2 =	vld [tilespmem:s8+$0xFFFFFEE0];
	_ =	sdelay $0x4  }
0x7c: {  	v2 =	vmul.f32 v2, v3;
	_ =	sdelay $0x1  }
0x7d: {  	[tilespmem:s8+$0xFFFFFEE0] =	vst v2;
	v2 =	vld [tilespmem:s8+$0xFFFFFEF0];
	_ =	sdelay $0x4  }
0x7e: {  	v2 =	vmul.f32 v2, v3;
	_ =	sdelay $0x1  }
0x7f: {  	[tilespmem:s8+$0xFFFFFEF0] =	vst v2;
	v2 =	vld [tilespmem:s8+$0xFFFFFF00];
	_ =	sdelay $0x2  }
0x80: {  	v3 =	vbroadcast v1, $0x4;
	_ =	sdelay $0x1  }
0x81: {  	v2 =	vmul.f32 v2, v3;
	_ =	sdelay $0x1  }
0x82: {  	[tilespmem:s8+$0xFFFFFF00] =	vst v2;
	v2 =	vld [tilespmem:s8+$0xFFFFFF10];
	_ =	sdelay $0x4  }
0x83: {  	v2 =	vmul.f32 v2, v3;
	_ =	sdelay $0x1  }
0x84: {  	[tilespmem:s8+$0xFFFFFF10] =	vst v2;
	v2 =	vld [tilespmem:s8+$0xFFFFFF20];
	_ =	sdelay $0x4  }
0x85: {  	v2 =	vmul.f32 v2, v3;
	_ =	sdelay $0x1  }
0x86: {  	[tilespmem:s8+$0xFFFFFF20] =	vst v2;
	v2 =	vld [tilespmem:s8+$0xFFFFFF30];
	_ =	sdelay $0x4  }
0x87: {  	v2 =	vmul.f32 v2, v3;
	_ =	sdelay $0x1  }
0x88: {  	[tilespmem:s8+$0xFFFFFF30] =	vst v2;
	v2 =	vld [tilespmem:s8+$0xFFFFFF40];
	_ =	sdelay $0x2  }
0x89: {  	v3 =	vbroadcast v1, $0x5;
	_ =	sdelay $0x1  }
0x8a: {  	v2 =	vmul.f32 v2, v3;
	_ =	sdelay $0x1  }
0x8b: {  	[tilespmem:s8+$0xFFFFFF40] =	vst v2;
	v2 =	vld [tilespmem:s8+$0xFFFFFF50];
	_ =	sdelay $0x4  }
0x8c: {  	v2 =	vmul.f32 v2, v3;
	_ =	sdelay $0x1  }
0x8d: {  	[tilespmem:s8+$0xFFFFFF50] =	vst v2;
	v2 =	vld [tilespmem:s8+$0xFFFFFF60];
	_ =	sdelay $0x4  }
0x8e: {  	v2 =	vmul.f32 v2, v3;
	_ =	sdelay $0x1  }
0x8f: {  	[tilespmem:s8+$0xFFFFFF60] =	vst v2;
	v2 =	vld [tilespmem:s8+$0xFFFFFF70];
	_ =	sdelay $0x4  }
0x90: {  	v2 =	vmul.f32 v2, v3;
	_ =	sdelay $0x1  }
0x91: {  	[tilespmem:s8+$0xFFFFFF70] =	vst v2;
	v2 =	vld [tilespmem:s8+$0xFFFFFF80];
	_ =	sdelay $0x2  }
0x92: {  	v3 =	vbroadcast v1, $0x6;
	_ =	sdelay $0x1  }
0x93: {  	v2 =	vmul.f32 v2, v3;
	_ =	sdelay $0x1  }
0x94: {  	[tilespmem:s8+$0xFFFFFF80] =	vst v2;
	v2 =	vld [tilespmem:s8+$0xFFFFFF90];
	_ =	sdelay $0x4  }
0x95: {  	v2 =	vmul.f32 v2, v3;
	_ =	sdelay $0x1  }
0x96: {  	[tilespmem:s8+$0xFFFFFF90] =	vst v2;
	v2 =	vld [tilespmem:s8+$0xFFFFFFA0];
	_ =	sdelay $0x4  }
0x97: {  	v2 =	vmul.f32 v2, v3;
	_ =	sdelay $0x1  }
0x98: {  	[tilespmem:s8+$0xFFFFFFA0] =	vst v2;
	v2 =	vld [tilespmem:s8+$0xFFFFFFB0];
	_ =	sdelay $0x4  }
0x99: {  	v2 =	vmul.f32 v2, v3;
	_ =	sdelay $0x1  }
0x9a: {  	[tilespmem:s8+$0xFFFFFFB0] =	vst v2;
	v2 =	vld [tilespmem:s8+$0xFFFFFFC0];
	_ =	sdelay $0x2  }
0x9b: {  	v3 =	vbroadcast v1, $0x7;
	_ =	sdelay $0x1  }
0x9c: {  	v2 =	vmul.f32 v2, v3;
	_ =	sdelay $0x1  }
0x9d: {  	[tilespmem:s8+$0xFFFFFFC0] =	vst v2;
	v2 =	vld [tilespmem:s8+$0xFFFFFFD0];
	_ =	sdelay $0x4  }
0x9e: {  	v2 =	vmul.f32 v2, v3;
	_ =	sdelay $0x1  }
0x9f: {  	[tilespmem:s8+$0xFFFFFFD0] =	vst v2;
	v2 =	vld [tilespmem:s8+$0xFFFFFFE0];
	_ =	sdelay $0x4  }
0xa0: {  	v2 =	vmul.f32 v2, v3;
	_ =	sdelay $0x1  }
0xa1: {  	[tilespmem:s8+$0xFFFFFFE0] =	vst v2;
	v2 =	vld [tilespmem:s8+$0xFFFFFFF0];
	_ =	sdelay $0x4  }
0xa2: {  	v2 =	vmul.f32 v2, v3;
	_ =	sdelay $0x1  }
0xa3: {  	[tilespmem:s8+$0xFFFFFFF0] =	vst v2;
	v2 =	vld [tilespmem:s8+$0x0];
	_ =	sdelay $0x2  }
0xa4: {  	v3 =	vbroadcast v1, $0x8;
	_ =	sdelay $0x1  }
0xa5: {  	v2 =	vmul.f32 v2, v3;
	_ =	sdelay $0x1  }
0xa6: {  	[tilespmem:s8+$0x0] =	vst v2;
	v2 =	vld [tilespmem:s8+$0x10];
	_ =	sdelay $0x4  }
0xa7: {  	v2 =	vmul.f32 v2, v3;
	_ =	sdelay $0x1  }
0xa8: {  	[tilespmem:s8+$0x10] =	vst v2;
	v2 =	vld [tilespmem:s8+$0x20];
	_ =	sdelay $0x4  }
0xa9: {  	v2 =	vmul.f32 v2, v3;
	_ =	sdelay $0x1  }
0xaa: {  	[tilespmem:s8+$0x20] =	vst v2;
	v2 =	vld [tilespmem:s8+$0x30];
	_ =	sdelay $0x4  }
0xab: {  	v2 =	vmul.f32 v2, v3;
	_ =	sdelay $0x1  }
0xac: {  	[tilespmem:s8+$0x30] =	vst v2;
	v2 =	vld [tilespmem:s8+$0x40];
	_ =	sdelay $0x2  }
0xad: {  	v3 =	vbroadcast v1, $0x9;
	_ =	sdelay $0x1  }
0xae: {  	v2 =	vmul.f32 v2, v3;
	_ =	sdelay $0x1  }
0xaf: {  	[tilespmem:s8+$0x40] =	vst v2;
	v2 =	vld [tilespmem:s8+$0x50];
	_ =	sdelay $0x4  }
0xb0: {  	v2 =	vmul.f32 v2, v3;
	_ =	sdelay $0x1  }
0xb1: {  	[tilespmem:s8+$0x50] =	vst v2;
	v2 =	vld [tilespmem:s8+$0x60];
	_ =	sdelay $0x4  }
0xb2: {  	v2 =	vmul.f32 v2, v3;
	_ =	sdelay $0x1  }
0xb3: {  	[tilespmem:s8+$0x60] =	vst v2;
	v2 =	vld [tilespmem:s8+$0x70];
	_ =	sdelay $0x4  }
0xb4: {  	v2 =	vmul.f32 v2, v3;
	_ =	sdelay $0x1  }
0xb5: {  	[tilespmem:s8+$0x70] =	vst v2;
	v2 =	vld [tilespmem:s8+$0x80];
	_ =	sdelay $0x2  }
0xb6: {  	v3 =	vbroadcast v1, $0xA;
	_ =	sdelay $0x1  }
0xb7: {  	v2 =	vmul.f32 v2, v3;
	_ =	sdelay $0x1  }
0xb8: {  	[tilespmem:s8+$0x80] =	vst v2;
	v2 =	vld [tilespmem:s8+$0x90];
	_ =	sdelay $0x4  }
0xb9: {  	v2 =	vmul.f32 v2, v3;
	_ =	sdelay $0x1  }
0xba: {  	[tilespmem:s8+$0x90] =	vst v2;
	v2 =	vld [tilespmem:s8+$0xA0];
	_ =	sdelay $0x4  }
0xbb: {  	v2 =	vmul.f32 v2, v3;
	_ =	sdelay $0x1  }
0xbc: {  	[tilespmem:s8+$0xA0] =	vst v2;
	v2 =	vld [tilespmem:s8+$0xB0];
	_ =	sdelay $0x4  }
0xbd: {  	v2 =	vmul.f32 v2, v3;
	_ =	sdelay $0x1  }
0xbe: {  	[tilespmem:s8+$0xB0] =	vst v2;
	v2 =	vld [tilespmem:s8+$0xC0];
	_ =	sdelay $0x2  }
0xbf: {  	v3 =	vbroadcast v1, $0xB;
	_ =	sdelay $0x1  }
0xc0: {  	v2 =	vmul.f32 v2, v3;
	_ =	sdelay $0x1  }
0xc1: {  	[tilespmem:s8+$0xC0] =	vst v2;
	v2 =	vld [tilespmem:s8+$0xD0];
	_ =	sdelay $0x4  }
0xc2: {  	v2 =	vmul.f32 v2, v3;
	_ =	sdelay $0x1  }
0xc3: {  	[tilespmem:s8+$0xD0] =	vst v2;
	v2 =	vld [tilespmem:s8+$0xE0];
	_ =	sdelay $0x4  }
0xc4: {  	v2 =	vmul.f32 v2, v3;
	_ =	sdelay $0x1  }
0xc5: {  	[tilespmem:s8+$0xE0] =	vst v2;
	v2 =	vld [tilespmem:s8+$0xF0];
	_ =	sdelay $0x4  }
0xc6: {  	v2 =	vmul.f32 v2, v3;
	_ =	sdelay $0x1  }
0xc7: {  	[tilespmem:s8+$0xF0] =	vst v2;
	v2 =	vld [tilespmem:s8+$0x100];
	_ =	sdelay $0x2  }
0xc8: {  	v3 =	vbroadcast v1, $0xC;
	_ =	sdelay $0x1  }
0xc9: {  	v2 =	vmul.f32 v2, v3;
	_ =	sdelay $0x1  }
0xca: {  	[tilespmem:s8+$0x100] =	vst v2;
	v2 =	vld [tilespmem:s8+$0x110];
	_ =	sdelay $0x4  }
0xcb: {  	v2 =	vmul.f32 v2, v3;
	_ =	sdelay $0x1  }
0xcc: {  	[tilespmem:s8+$0x110] =	vst v2;
	v2 =	vld [tilespmem:s8+$0x120];
	_ =	sdelay $0x4  }
0xcd: {  	v2 =	vmul.f32 v2, v3;
	_ =	sdelay $0x1  }
0xce: {  	[tilespmem:s8+$0x120] =	vst v2;
	v2 =	vld [tilespmem:s8+$0x130];
	_ =	sdelay $0x4  }
0xcf: {  	v2 =	vmul.f32 v2, v3;
	_ =	sdelay $0x1  }
0xd0: {  	[tilespmem:s8+$0x130] =	vst v2;
	v2 =	vld [tilespmem:s8+$0x140];
	_ =	sdelay $0x2  }
0xd1: {  	v3 =	vbroadcast v1, $0xD;
	_ =	sdelay $0x1  }
0xd2: {  	v2 =	vmul.f32 v2, v3;
	_ =	sdelay $0x1  }
0xd3: {  	[tilespmem:s8+$0x140] =	vst v2;
	v2 =	vld [tilespmem:s8+$0x150];
	_ =	sdelay $0x4  }
0xd4: {  	v2 =	vmul.f32 v2, v3;
	_ =	sdelay $0x1  }
0xd5: {  	[tilespmem:s8+$0x150] =	vst v2;
	v2 =	vld [tilespmem:s8+$0x160];
	_ =	sdelay $0x4  }
0xd6: {  	v2 =	vmul.f32 v2, v3;
	_ =	sdelay $0x1  }
0xd7: {  	[tilespmem:s8+$0x160] =	vst v2;
	v2 =	vld [tilespmem:s8+$0x170];
	_ =	sdelay $0x4  }
0xd8: {  	v2 =	vmul.f32 v2, v3;
	_ =	sdelay $0x1  }
0xd9: {  	[tilespmem:s8+$0x170] =	vst v2;
	v2 =	vld [tilespmem:s8+$0x180];
	_ =	sdelay $0x2  }
0xda: {  	v3 =	vbroadcast v1, $0xE;
	_ =	sdelay $0x1  }
0xdb: {  	v2 =	vmul.f32 v2, v3;
	_ =	sdelay $0x1  }
0xdc: {  	[tilespmem:s8+$0x180] =	vst v2;
	v2 =	vld [tilespmem:s8+$0x190];
	_ =	sdelay $0x4  }
0xdd: {  	v2 =	vmul.f32 v2, v3;
	_ =	sdelay $0x1  }
0xde: {  	[tilespmem:s8+$0x190] =	vst v2;
	v2 =	vld [tilespmem:s8+$0x1A0];
	_ =	sdelay $0x4  }
0xdf: {  	v2 =	vmul.f32 v2, v3;
	_ =	sdelay $0x1  }
0xe0: {  	[tilespmem:s8+$0x1A0] =	vst v2;
	v2 =	vld [tilespmem:s8+$0x1B0];
	_ =	sdelay $0x4  }
0xe1: {  	v2 =	vmul.f32 v2, v3;
	_ =	sdelay $0x1  }
0xe2: {  	[tilespmem:s8+$0x1B0] =	vst v2;
	v2 =	vld [tilespmem:s8+$0x1C0];
	_ =	sdelay $0x2  }
0xe3: {  	v1 =	vbroadcast v1, $0xF;
	_ =	sdelay $0x1  }
0xe4: {  	v2 =	vmul.f32 v2, v1;
	_ =	sdelay $0x1  }
0xe5: {  	[tilespmem:s8+$0x1C0] =	vst v2;
	v2 =	vld [tilespmem:s8+$0x1D0];
	_ =	sdelay $0x4  }
0xe6: {  	v2 =	vmul.f32 v2, v1;
	_ =	sdelay $0x1  }
0xe7: {  	[tilespmem:s8+$0x1D0] =	vst v2;
	v2 =	vld [tilespmem:s8+$0x1E0];
	_ =	sdelay $0x4  }
0xe8: {  	v2 =	vmul.f32 v2, v1;
	_ =	sdelay $0x1  }
0xe9: {  	[tilespmem:s8+$0x1E0] =	vst v2;
	v2 =	vld [tilespmem:s8+$0x1F0];
	_ =	sdelay $0x1  }
0xea: {  	p0 =	sne.s32 s12, $0x1C0  }
.Ltmp6:
0xeb: {  	_ = 	snop;
	(pc) =	sbr.rel @p0 .LBB2_4-.Ltmp6, $3  }
0xec: {  	_ = 	snop  }
0xed: {  	v1 =	vmul.f32 v2, v1;
	_ =	sdelay $0x1  }
0xee: {  	s12 =	sadd.s32 $0x40, s12;
	[tilespmem:s8+$0x1F0] =	vst v1;
	s8 =	sadd.s32 $0x400, s8  }
0xef: {  	s13 =	sadd.s32 $0xFFFFFFFE, s31  }
0xf0: {  	p0 =	sgt.u32 s13, $0x1B  }
.Ltmp7:
0xf1: {  	s8 =	sshrl.u32 s9, $0x2;
	(pc) =	sbr.rel @!p0 .LBB2_6-.Ltmp7, $4  }
0xf2: {  	s0 =	sadd.s32 $0x5, s0;
	s8 =	sadd.s32 $0x15000, s8  }
0xf3: {  	[spmem:s3] =	stream.indirect.scatter.add.f32 [tilespmem:s4], [sflag:s0], $0x40, s8, s19, $0xb8;
	[tilespmem:$0x1F000] =	vst v63  }
0xf4: {  	s4 =	sadd.s32 $0x2, s31  }
0xf5: {  	s0 =	sand.u32 $0x3, s4  }
0xf6: {  	p0 =	sgt.u32 s31, $0x1  }
.Ltmp8:
0xf7: {  	_ = 	snop;
	(pc) =	sbr.rel @p0 .LBB2_9-.Ltmp8, $4  }
.Ltmp9:
0xf8: {  	_ = 	snop;
	(pc) =	sbr.rel @!p0 .LBB2_8-.Ltmp9, $4  }
0xf9: {  	_ = 	snop  }
0xfa: {  	_ = 	snop  }
0xfb: {  	s8 =	smov.u32 s4  }
0xfc: {  	_ = 	snop  }
.LBB2_12:
0xfd: {  	_ =	sfence.sel $0x180000  }
0xfe: {  	[bflag:$0x0] =	sbarrier.arrive $0xFFFF  }
0xff: {  	_ =	strace $0x90000047  }
0x100: {  	s0 =	stileid.u32;
	[bflag:$0x2] =	sbarrier.arrive $0xFFFF  }
0x101: {  	p0 =	sne.s32 s0, $0x0;
	s0 =	rddreg [dreg:$0x4]  }
0x102: {  	s0 =	sadd.s32 @!p0 $0x100000, s0  }
0x103: {  	[sflag:s0] =	ssyncadd.tile.s32 @!p0 $0x1;
	_ =	shalt  }
.Lfunc_end2:
_tile_overlayer_lowered:
.L_overlay_start_2:
0x104: {  	(tag) =	ssettag $0x2  }
0x105: {  	s0 =	rddreg [dreg:$0x0];
	s2 =	stileid.u32  }
0x106: {  	s1 =	rddreg [dreg:$0x1];
	p0 =	sne.s32 s2, $0x0  }
0x107: {  	s3 =	rddreg [dreg:$0x2];
	[bflag:$0x3] =	sbarrier.arrive $0xFFFF;
	s2 =	simm.s32 @!p0 $0x1C09  }
0x108: {  	[timem:s3], [sflag:s2] =	dma.local @!p0 [hbm:s0], s1  }
0x109: {  	s0 =	simm.s32 @!p0 $0x9  }
0x10a: {  	_ =	swait.ge @!p0 [sflag:s0], s1  }
0x10b: {  	s1 =	ssub.s32 @!p0 $0x0, s1;
	[sflag:s0] =	ssyncset.done @!p0 $0x0  }
0x10c: {  	[sflag:s0] =	ssyncadd.s32 @!p0 s1  }
0x10d: {  	[bflag:$0x3] =	sbarrier.arrive $0xFFFF  }
0x10e: {  	_ =	shalt  }

</sc_bundles>
